<compile_context>
chip_gen: v7x
topology: tpu7x:2x2x1
jax: 0.10.2.dev20260603
libtpu: 0.0.44.dev20260713+nightly
codegen_flags: <defaults>
</compile_context>

<pallas_src>
import functools

import jax
import jax.numpy as jnp
from jax import lax
from jax.experimental import pallas as pl
from jax.experimental.pallas import tpu as pltpu
from jax.experimental.pallas import tpu_sc as plsc

N_NODES = 10000
N_EDGES = 320000
D = 128
N_GRAPHS = 64

NC = 2
NS = 16
NW = NC * NS

CHUNK = 128
_CPT_MIN = (N_EDGES + NW * CHUNK - 1) // (NW * CHUNK)
CPT = _CPT_MIN + (_CPT_MIN % 2)
E_PAD = NW * CPT * CHUNK

ACC_ROWS = 10240
ZERO_ROWS_PER_TILE = ACC_ROWS // NS


def _segment_sum_sc(x, src_t, dst_t):
    mesh = plsc.VectorSubcoreMesh(core_axis_name="c", subcore_axis_name="s")

    @functools.partial(
        pl.kernel,
        out_type=jax.ShapeDtypeStruct((NC, ACC_ROWS, D), jnp.float32),
        mesh=mesh,
        scratch_types=[
            pltpu.VMEM_SHARED((ACC_ROWS, D), jnp.float32),
            pltpu.VMEM((2, CHUNK), jnp.int32),
            pltpu.VMEM((2, CHUNK), jnp.int32),
            pltpu.VMEM((CHUNK, D), jnp.float32),
            pltpu.VMEM((CHUNK, D), jnp.float32),
            pltpu.SemaphoreType.DMA,
            pltpu.SemaphoreType.DMA,
            pltpu.SemaphoreType.DMA,
            pltpu.SemaphoreType.DMA,
            pltpu.SemaphoreType.DMA,
        ],
    )
    def seg_sum(x_hbm, src_hbm, dst_hbm, out_hbm, acc, sidx, didx, buf0, buf1,
                gsem0, gsem1, isem0, isem1, zsem):
        c = lax.axis_index("c")
        s = lax.axis_index("s")
        wid = c * NS + s

        isems = (isem0, isem1)

        def fire_idx(i, slot):
            pltpu.async_copy(src_hbm.at[wid, i], sidx.at[slot], isems[slot])
            pltpu.async_copy(dst_hbm.at[wid, i], didx.at[slot], isems[slot])

        def drain_idx(slot):
            pltpu.make_async_copy(src_hbm.at[wid, 0], sidx.at[slot], isems[slot]).wait()
            pltpu.make_async_copy(dst_hbm.at[wid, 0], didx.at[slot], isems[slot]).wait()

        def fire_rows(slot, buf, sem):
            pltpu.async_copy(x_hbm.at[sidx.at[slot]], buf, sem)

        def drain_rows(slot, buf, sem):
            pltpu.make_async_copy(x_hbm.at[sidx.at[slot]], buf, sem).wait()

        def scat(slot, buf):
            pltpu.sync_copy(buf, acc.at[didx.at[slot]], add=True)

        fire_idx(0, 0)
        fire_idx(1, 1)

        zvec = jnp.zeros((16,), jnp.float32)

        @pl.loop(0, CHUNK)
        def _zero_rows(r):
            for cc in range(D // 16):
                buf1[r, pl.ds(cc * 16, 16)] = zvec

        nz = ZERO_ROWS_PER_TILE // CHUNK
        for b in range(nz):
            pltpu.async_copy(
                buf1,
                acc.at[pl.ds(s * ZERO_ROWS_PER_TILE + b * CHUNK, CHUNK)],
                zsem,
            )
        drain_idx(0)
        fire_rows(0, buf0, gsem0)
        for b in range(nz):
            pltpu.make_async_copy(
                buf1,
                acc.at[pl.ds(s * ZERO_ROWS_PER_TILE + b * CHUNK, CHUNK)],
                zsem,
            ).wait()
        plsc.subcore_barrier()

        @pl.loop(0, CPT // 2 - 1)
        def _edges(j):
            i = j * 2
            drain_idx(1)
            fire_rows(1, buf1, gsem1)
            drain_rows(0, buf0, gsem0)
            scat(0, buf0)
            fire_idx(i + 2, 0)
            drain_rows(1, buf1, gsem1)
            scat(1, buf1)
            fire_idx(i + 3, 1)
            drain_idx(0)
            fire_rows(0, buf0, gsem0)

        drain_idx(1)
        fire_rows(1, buf1, gsem1)
        drain_rows(0, buf0, gsem0)
        scat(0, buf0)
        drain_rows(1, buf1, gsem1)
        scat(1, buf1)

        plsc.subcore_barrier()

        pltpu.sync_copy(
            acc.at[pl.ds(s * ZERO_ROWS_PER_TILE, ZERO_ROWS_PER_TILE)],
            out_hbm.at[c, pl.ds(s * ZERO_ROWS_PER_TILE, ZERO_ROWS_PER_TILE)],
        )

    return seg_sum(x, src_t, dst_t)


def _root_tc(x, w_root):

    def body(x_ref, wq_ref, o_ref):
        o_ref[...] = jnp.dot(x_ref[...], wq_ref[...],
                             preferred_element_type=jnp.float32)

    return pl.pallas_call(
        body,
        out_shape=jax.ShapeDtypeStruct((N_NODES, D), jnp.float32),
    )(x, w_root)


def _dense_layer_tc(parts, root, w_rel, b):

    def body(p_ref, r_ref, wr_ref, b_ref, o_ref):
        agg = p_ref[0, :N_NODES] + p_ref[1, :N_NODES]
        h = jnp.dot(agg, wr_ref[...], preferred_element_type=jnp.float32)
        h = h + r_ref[...] + b_ref[...]
        o_ref[...] = jnp.maximum(h, 0.0)

    return pl.pallas_call(
        body,
        out_shape=jax.ShapeDtypeStruct((N_NODES, D), jnp.float32),
    )(parts, root, w_rel, b.reshape(1, D))


def _final_tc(parts, root, w_rel, b, batch2d, fc_w, fc_b):

    def body(p_ref, r_ref, wr_ref, b_ref, bt_ref, fw_ref, fb_ref, o_ref):
        agg = p_ref[0, :N_NODES] + p_ref[1, :N_NODES]
        h2 = jnp.dot(agg, wr_ref[...], preferred_element_type=jnp.float32)
        h2 = jnp.maximum(h2 + r_ref[...] + b_ref[...], 0.0)
        gids = lax.broadcasted_iota(jnp.int32, (N_GRAPHS, N_NODES), 0)
        sel = (gids == bt_ref[...]).astype(jnp.float32)
        sums = jnp.dot(sel, h2, preferred_element_type=jnp.float32)
        counts = jnp.sum(sel, axis=1, keepdims=True)
        pooled = sums / jnp.maximum(counts, 1.0)
        out = jnp.dot(pooled, fw_ref[...], preferred_element_type=jnp.float32)
        o_ref[...] = out + fb_ref[...]

    return pl.pallas_call(
        body,
        out_shape=jax.ShapeDtypeStruct((N_GRAPHS, 10), jnp.float32),
    )(parts, root, w_rel, b.reshape(1, D), batch2d, fc_w, fc_b.reshape(1, 10))


def kernel(x, edge_index, batch, W1_rel, b1, W1_root, W2_rel, b2, W2_root, fc_W, fc_b):
    x = x.astype(jnp.float32)
    src = edge_index[0].astype(jnp.int32)
    dst = edge_index[1].astype(jnp.int32)

    n_pad = E_PAD - N_EDGES
    pad_ids = jnp.arange(n_pad, dtype=jnp.int32)
    pad_src = (pad_ids * 97) % N_NODES
    pad_dst = N_NODES + pad_ids % (ACC_ROWS - N_NODES)
    src_t = jnp.concatenate([src, pad_src]).reshape(NW, CPT, CHUNK)
    dst_t = jnp.concatenate([dst, pad_dst]).reshape(NW, CPT, CHUNK)

    p1 = _segment_sum_sc(x, src_t, dst_t)
    root1 = _root_tc(x, W1_root)
    h = _dense_layer_tc(p1, root1, W1_rel, b1)
    p2 = _segment_sum_sc(h, src_t, dst_t)
    root2 = _root_tc(h, W2_root)
    batch2d = batch.astype(jnp.int32).reshape(1, N_NODES)
    return _final_tc(p2, root2, W2_rel, b2, batch2d, fc_W, fc_b)

# --- scband reference (transcript-rebuilt; emitter-appended) ---
"""Pipeline reference for scband-jet-classifier-gnn-47218870452627 (READ-ONLY COPY).

The authoritative reference and input builder live on the scoring server;
editing this copy changes nothing except your own understanding.
"""

import jax, jax.numpy as jnp
import numpy as np

N_NODES = 10000
N_EDGES = 320000
D_IN = 128
D_HID = 128
D_OUT = 10
N_GRAPHS = 64


def setup_inputs(seed: int = 0) -> dict:
    key = jax.random.key(seed)
    ks = [jax.random.fold_in(key, i) for i in range(16)]
    x = jax.random.normal(ks[0], (N_NODES, D_IN), dtype=jnp.float32)
    edge_index = jax.random.randint(ks[1], (2, N_EDGES), 0, N_NODES, dtype=jnp.int64)
    batch = jnp.sort(jax.random.randint(ks[2], (N_NODES,), 0, N_GRAPHS, dtype=jnp.int64))
    # GraphConv layer 1 params (PyG GraphConv: lin_rel has bias, lin_root has no bias)
    s1 = 1.0 / np.sqrt(D_IN)
    W1_rel = jax.random.uniform(ks[3], (D_IN, D_HID), minval=-s1, maxval=s1, dtype=jnp.float32)
    b1 = jax.random.uniform(ks[4], (D_HID,), minval=-s1, maxval=s1, dtype=jnp.float32)
    W1_root = jax.random.uniform(ks[5], (D_IN, D_HID), minval=-s1, maxval=s1, dtype=jnp.float32)
    # GraphConv layer 2 params
    s2 = 1.0 / np.sqrt(D_HID)
    W2_rel = jax.random.uniform(ks[6], (D_HID, D_HID), minval=-s2, maxval=s2, dtype=jnp.float32)
    b2 = jax.random.uniform(ks[7], (D_HID,), minval=-s2, maxval=s2, dtype=jnp.float32)
    W2_root = jax.random.uniform(ks[8], (D_HID, D_HID), minval=-s2, maxval=s2, dtype=jnp.float32)
    # Final linear classifier
    s3 = 1.0 / np.sqrt(D_HID)
    fc_W = jax.random.uniform(ks[9], (D_HID, D_OUT), minval=-s3, maxval=s3, dtype=jnp.float32)
    fc_b = jax.random.uniform(ks[10], (D_OUT,), minval=-s3, maxval=s3, dtype=jnp.float32)
    return {
        "x": x, "edge_index": edge_index, "batch": batch,
        "W1_rel": W1_rel, "b1": b1, "W1_root": W1_root,
        "W2_rel": W2_rel, "b2": b2, "W2_root": W2_root,
        "fc_W": fc_W, "fc_b": fc_b,
    }


def _graph_conv(x, src, dst, W_rel, b, W_root):
    # PyG GraphConv (aggr='add'): out_i = W_rel @ (sum_{j in N(i)} x_j) + b + W_root @ x_i
    msgs = jnp.take(x, src, axis=0)
    agg = jax.ops.segment_sum(msgs, dst, num_segments=x.shape[0])
    return agg @ W_rel + b + x @ W_root


def reference(x, edge_index, batch, W1_rel, b1, W1_root, W2_rel, b2, W2_root, fc_W, fc_b):
    src = edge_index[0]
    dst = edge_index[1]
    h = jax.nn.relu(_graph_conv(x, src, dst, W1_rel, b1, W1_root))
    h = jax.nn.relu(_graph_conv(h, src, dst, W2_rel, b2, W2_root))
    # global_mean_pool over batch assignment
    sums = jax.ops.segment_sum(h, batch, num_segments=N_GRAPHS)
    counts = jax.ops.segment_sum(jnp.ones((h.shape[0], 1), dtype=h.dtype), batch, num_segments=N_GRAPHS)
    pooled = sums / jnp.clip(counts, 1.0, None)
    out = pooled @ fc_W + fc_b
    return out

if __name__ == "__main__":
    import jax
    _d = setup_inputs()
    print(jax.jit(kernel)(*tuple(_d.values())))

</pallas_src>

<mosaic_0001>
#map = affine_map<(d0, d1) -> (0, 0)>
#map1 = affine_map<(d0, d1) -> (0, 0, 0)>
module attributes {stable_mosaic.version = 14 : i64} {
  func.func @seg_sum(%arg0: i32, %arg1: i32, %arg2: memref<10000x128xf32, #tpu.memory_space<hbm>>, %arg3: memref<32x80x128xi32, #tpu.memory_space<hbm>>, %arg4: memref<32x80x128xi32, #tpu.memory_space<hbm>>, %arg5: memref<2x10240x128xf32, #tpu.memory_space<hbm>>, %arg6: memref<10240x128xf32, #tpu.memory_space<vmem_shared>>, %arg7: memref<2x128xi32, #tpu.memory_space<vmem>>, %arg8: memref<2x128xi32, #tpu.memory_space<vmem>>, %arg9: memref<128x128xf32, #tpu.memory_space<vmem>>, %arg10: memref<128x128xf32, #tpu.memory_space<vmem>>, %arg11: memref<!tpu.dma_semaphore, #tpu.memory_space<semaphore_mem>>, %arg12: memref<!tpu.dma_semaphore, #tpu.memory_space<semaphore_mem>>, %arg13: memref<!tpu.dma_semaphore, #tpu.memory_space<semaphore_mem>>, %arg14: memref<!tpu.dma_semaphore, #tpu.memory_space<semaphore_mem>>, %arg15: memref<!tpu.dma_semaphore, #tpu.memory_space<semaphore_mem>>) attributes {dimension_semantics = [#tpu.dimension_semantics<core_parallel>, #tpu.dimension_semantics<subcore_parallel>], iteration_bounds = array<i64: 2, 16>, scalar_prefetch = 0 : i64, scratch_operands = 10 : i64, tpu.core_type = #tpu.core_type<sc_vector_subcore>, window_params = [{transform_indices = #map}, {transform_indices = #map1}, {transform_indices = #map1}, {transform_indices = #map1}]} {
    %mul3A = arith.constant 16 : i32
    %mul3A_0 = arith.muli %arg0, %mul3A : i32
    %add3A = arith.addi %mul3A_0, %arg1 : i32
    %dma_start3A = arith.constant 0 : i32
    %dma_start3A_1 = arith.constant 0 : i32
    %dma_start3A_2 = arith.constant 0 : i32
    %dma_start3A_3 = tpu.memref_slice %arg7[%dma_start3A_1, %dma_start3A_2] : memref<2x128xi32, #tpu.memory_space<vmem>> -> memref<1x128xi32, #tpu.memory_space<vmem>>
    %dma_start3A_4 = tpu.memref_squeeze %dma_start3A_3 : memref<1x128xi32, #tpu.memory_space<vmem>> -> memref<128xi32, #tpu.memory_space<vmem>>
    %dma_start3A_5 = arith.constant 0 : i32
    %dma_start3A_6 = tpu.memref_slice %arg3[%add3A, %dma_start3A, %dma_start3A_5] : memref<32x80x128xi32, #tpu.memory_space<hbm>> -> memref<1x1x128xi32, #tpu.memory_space<hbm>>
    %dma_start3A_7 = tpu.memref_squeeze %dma_start3A_6 : memref<1x1x128xi32, #tpu.memory_space<hbm>> -> memref<128xi32, #tpu.memory_space<hbm>>
    %dma_start3A_8 = arith.constant 0 : i32
    %dma_start3A_9 = tpu.memref_slice %arg7[%dma_start3A_1, %dma_start3A_8] : memref<2x128xi32, #tpu.memory_space<vmem>> -> memref<1x128xi32, #tpu.memory_space<vmem>>
    %dma_start3A_10 = tpu.memref_squeeze %dma_start3A_9 : memref<1x128xi32, #tpu.memory_space<vmem>> -> memref<128xi32, #tpu.memory_space<vmem>>
    %dma_start3A_11 = arith.constant 0 : i32
    %dma_start3A_12 = tpu.memref_slice %arg3[%add3A, %dma_start3A, %dma_start3A_11] : memref<32x80x128xi32, #tpu.memory_space<hbm>> -> memref<1x1x128xi32, #tpu.memory_space<hbm>>
    %dma_start3A_13 = tpu.memref_squeeze %dma_start3A_12 : memref<1x1x128xi32, #tpu.memory_space<hbm>> -> memref<128xi32, #tpu.memory_space<hbm>>
    tpu.enqueue_dma source(%dma_start3A_13 : memref<128xi32, #tpu.memory_space<hbm>>) target(%dma_start3A_10 : memref<128xi32, #tpu.memory_space<vmem>>) target_semaphore(%arg13 : memref<!tpu.dma_semaphore, #tpu.memory_space<semaphore_mem>>)
    %dma_start3A_14 = arith.constant 0 : i32
    %dma_start3A_15 = arith.constant 0 : i32
    %dma_start3A_16 = arith.constant 0 : i32
    %dma_start3A_17 = tpu.memref_slice %arg8[%dma_start3A_15, %dma_start3A_16] : memref<2x128xi32, #tpu.memory_space<vmem>> -> memref<1x128xi32, #tpu.memory_space<vmem>>
    %dma_start3A_18 = tpu.memref_squeeze %dma_start3A_17 : memref<1x128xi32, #tpu.memory_space<vmem>> -> memref<128xi32, #tpu.memory_space<vmem>>
    %dma_start3A_19 = arith.constant 0 : i32
    %dma_start3A_20 = tpu.memref_slice %arg4[%add3A, %dma_start3A_14, %dma_start3A_19] : memref<32x80x128xi32, #tpu.memory_space<hbm>> -> memref<1x1x128xi32, #tpu.memory_space<hbm>>
    %dma_start3A_21 = tpu.memref_squeeze %dma_start3A_20 : memref<1x1x128xi32, #tpu.memory_space<hbm>> -> memref<128xi32, #tpu.memory_space<hbm>>
    %dma_start3A_22 = arith.constant 0 : i32
    %dma_start3A_23 = tpu.memref_slice %arg8[%dma_start3A_15, %dma_start3A_22] : memref<2x128xi32, #tpu.memory_space<vmem>> -> memref<1x128xi32, #tpu.memory_space<vmem>>
    %dma_start3A_24 = tpu.memref_squeeze %dma_start3A_23 : memref<1x128xi32, #tpu.memory_space<vmem>> -> memref<128xi32, #tpu.memory_space<vmem>>
    %dma_start3A_25 = arith.constant 0 : i32
    %dma_start3A_26 = tpu.memref_slice %arg4[%add3A, %dma_start3A_14, %dma_start3A_25] : memref<32x80x128xi32, #tpu.memory_space<hbm>> -> memref<1x1x128xi32, #tpu.memory_space<hbm>>
    %dma_start3A_27 = tpu.memref_squeeze %dma_start3A_26 : memref<1x1x128xi32, #tpu.memory_space<hbm>> -> memref<128xi32, #tpu.memory_space<hbm>>
    tpu.enqueue_dma source(%dma_start3A_27 : memref<128xi32, #tpu.memory_space<hbm>>) target(%dma_start3A_24 : memref<128xi32, #tpu.memory_space<vmem>>) target_semaphore(%arg13 : memref<!tpu.dma_semaphore, #tpu.memory_space<semaphore_mem>>)
    %dma_start3A_28 = arith.constant 1 : i32
    %dma_start3A_29 = arith.constant 1 : i32
    %dma_start3A_30 = arith.constant 0 : i32
    %dma_start3A_31 = tpu.memref_slice %arg7[%dma_start3A_29, %dma_start3A_30] : memref<2x128xi32, #tpu.memory_space<vmem>> -> memref<1x128xi32, #tpu.memory_space<vmem>>
    %dma_start3A_32 = tpu.memref_squeeze %dma_start3A_31 : memref<1x128xi32, #tpu.memory_space<vmem>> -> memref<128xi32, #tpu.memory_space<vmem>>
    %dma_start3A_33 = arith.constant 0 : i32
    %dma_start3A_34 = tpu.memref_slice %arg3[%add3A, %dma_start3A_28, %dma_start3A_33] : memref<32x80x128xi32, #tpu.memory_space<hbm>> -> memref<1x1x128xi32, #tpu.memory_space<hbm>>
    %dma_start3A_35 = tpu.memref_squeeze %dma_start3A_34 : memref<1x1x128xi32, #tpu.memory_space<hbm>> -> memref<128xi32, #tpu.memory_space<hbm>>
    %dma_start3A_36 = arith.constant 0 : i32
    %dma_start3A_37 = tpu.memref_slice %arg7[%dma_start3A_29, %dma_start3A_36] : memref<2x128xi32, #tpu.memory_space<vmem>> -> memref<1x128xi32, #tpu.memory_space<vmem>>
    %dma_start3A_38 = tpu.memref_squeeze %dma_start3A_37 : memref<1x128xi32, #tpu.memory_space<vmem>> -> memref<128xi32, #tpu.memory_space<vmem>>
    %dma_start3A_39 = arith.constant 0 : i32
    %dma_start3A_40 = tpu.memref_slice %arg3[%add3A, %dma_start3A_28, %dma_start3A_39] : memref<32x80x128xi32, #tpu.memory_space<hbm>> -> memref<1x1x128xi32, #tpu.memory_space<hbm>>
    %dma_start3A_41 = tpu.memref_squeeze %dma_start3A_40 : memref<1x1x128xi32, #tpu.memory_space<hbm>> -> memref<128xi32, #tpu.memory_space<hbm>>
    tpu.enqueue_dma source(%dma_start3A_41 : memref<128xi32, #tpu.memory_space<hbm>>) target(%dma_start3A_38 : memref<128xi32, #tpu.memory_space<vmem>>) target_semaphore(%arg14 : memref<!tpu.dma_semaphore, #tpu.memory_space<semaphore_mem>>)
    %dma_start3A_42 = arith.constant 1 : i32
    %dma_start3A_43 = arith.constant 1 : i32
    %dma_start3A_44 = arith.constant 0 : i32
    %dma_start3A_45 = tpu.memref_slice %arg8[%dma_start3A_43, %dma_start3A_44] : memref<2x128xi32, #tpu.memory_space<vmem>> -> memref<1x128xi32, #tpu.memory_space<vmem>>
    %dma_start3A_46 = tpu.memref_squeeze %dma_start3A_45 : memref<1x128xi32, #tpu.memory_space<vmem>> -> memref<128xi32, #tpu.memory_space<vmem>>
    %dma_start3A_47 = arith.constant 0 : i32
    %dma_start3A_48 = tpu.memref_slice %arg4[%add3A, %dma_start3A_42, %dma_start3A_47] : memref<32x80x128xi32, #tpu.memory_space<hbm>> -> memref<1x1x128xi32, #tpu.memory_space<hbm>>
    %dma_start3A_49 = tpu.memref_squeeze %dma_start3A_48 : memref<1x1x128xi32, #tpu.memory_space<hbm>> -> memref<128xi32, #tpu.memory_space<hbm>>
    %dma_start3A_50 = arith.constant 0 : i32
    %dma_start3A_51 = tpu.memref_slice %arg8[%dma_start3A_43, %dma_start3A_50] : memref<2x128xi32, #tpu.memory_space<vmem>> -> memref<1x128xi32, #tpu.memory_space<vmem>>
    %dma_start3A_52 = tpu.memref_squeeze %dma_start3A_51 : memref<1x128xi32, #tpu.memory_space<vmem>> -> memref<128xi32, #tpu.memory_space<vmem>>
    %dma_start3A_53 = arith.constant 0 : i32
    %dma_start3A_54 = tpu.memref_slice %arg4[%add3A, %dma_start3A_42, %dma_start3A_53] : memref<32x80x128xi32, #tpu.memory_space<hbm>> -> memref<1x1x128xi32, #tpu.memory_space<hbm>>
    %dma_start3A_55 = tpu.memref_squeeze %dma_start3A_54 : memref<1x1x128xi32, #tpu.memory_space<hbm>> -> memref<128xi32, #tpu.memory_space<hbm>>
    tpu.enqueue_dma source(%dma_start3A_55 : memref<128xi32, #tpu.memory_space<hbm>>) target(%dma_start3A_52 : memref<128xi32, #tpu.memory_space<vmem>>) target_semaphore(%arg14 : memref<!tpu.dma_semaphore, #tpu.memory_space<semaphore_mem>>)
    %broadcast_in_dim3A = arith.constant 0.000000e+00 : f32
    %broadcast_in_dim3A_56 = vector.broadcast %broadcast_in_dim3A : f32 to vector<16xf32>
    %scan3A = arith.constant 0 : i32
    %scan3A_57 = arith.constant 128 : i32
    %scan3A_58 = arith.addi %scan3A, %scan3A_57 : i32
    %scan3A_59 = arith.constant 1 : i32
    scf.for %scan3A_235 = %scan3A to %scan3A_58 step %scan3A_59  : i32 {
      %mul3A_236 = arith.constant 1 : i32
      %mul3A_237 = arith.muli %scan3A_235, %mul3A_236 : i32
      %add3A_238 = arith.constant 0 : i32
      %add3A_239 = arith.addi %add3A_238, %mul3A_237 : i32
      %swap3A = arith.index_cast %add3A_239 : i32 to index
      %swap3A_240 = arith.constant 0 : index
      %swap3A_241 = tpu.vector_load %arg10[%swap3A, %swap3A_240] {strides = array<i32>} : memref<128x128xf32, #tpu.memory_space<vmem>>, vector<1x16xf32>,
      %swap3A_242 = vector.shape_cast %swap3A_241 : vector<1x16xf32> to vector<16xf32>
      %swap3A_243 = vector.shape_cast %broadcast_in_dim3A_56 : vector<16xf32> to vector<1x16xf32>
      tpu.vector_store %arg10[%swap3A, %swap3A_240], %swap3A_243 {strides = array<i32>} : memref<128x128xf32, #tpu.memory_space<vmem>>, vector<1x16xf32>,
      %swap3A_244 = arith.index_cast %add3A_239 : i32 to index
      %swap3A_245 = arith.constant 16 : index
      %swap3A_246 = tpu.vector_load %arg10[%swap3A_244, %swap3A_245] {strides = array<i32>} : memref<128x128xf32, #tpu.memory_space<vmem>>, vector<1x16xf32>,
      %swap3A_247 = vector.shape_cast %swap3A_246 : vector<1x16xf32> to vector<16xf32>
      %swap3A_248 = vector.shape_cast %broadcast_in_dim3A_56 : vector<16xf32> to vector<1x16xf32>
      tpu.vector_store %arg10[%swap3A_244, %swap3A_245], %swap3A_248 {strides = array<i32>} : memref<128x128xf32, #tpu.memory_space<vmem>>, vector<1x16xf32>,
      %swap3A_249 = arith.index_cast %add3A_239 : i32 to index
      %swap3A_250 = arith.constant 32 : index
      %swap3A_251 = tpu.vector_load %arg10[%swap3A_249, %swap3A_250] {strides = array<i32>} : memref<128x128xf32, #tpu.memory_space<vmem>>, vector<1x16xf32>,
      %swap3A_252 = vector.shape_cast %swap3A_251 : vector<1x16xf32> to vector<16xf32>
      %swap3A_253 = vector.shape_cast %broadcast_in_dim3A_56 : vector<16xf32> to vector<1x16xf32>
      tpu.vector_store %arg10[%swap3A_249, %swap3A_250], %swap3A_253 {strides = array<i32>} : memref<128x128xf32, #tpu.memory_space<vmem>>, vector<1x16xf32>,
      %swap3A_254 = arith.index_cast %add3A_239 : i32 to index
      %swap3A_255 = arith.constant 48 : index
      %swap3A_256 = tpu.vector_load %arg10[%swap3A_254, %swap3A_255] {strides = array<i32>} : memref<128x128xf32, #tpu.memory_space<vmem>>, vector<1x16xf32>,
      %swap3A_257 = vector.shape_cast %swap3A_256 : vector<1x16xf32> to vector<16xf32>
      %swap3A_258 = vector.shape_cast %broadcast_in_dim3A_56 : vector<16xf32> to vector<1x16xf32>
      tpu.vector_store %arg10[%swap3A_254, %swap3A_255], %swap3A_258 {strides = array<i32>} : memref<128x128xf32, #tpu.memory_space<vmem>>, vector<1x16xf32>,
      %swap3A_259 = arith.index_cast %add3A_239 : i32 to index
      %swap3A_260 = arith.constant 64 : index
      %swap3A_261 = tpu.vector_load %arg10[%swap3A_259, %swap3A_260] {strides = array<i32>} : memref<128x128xf32, #tpu.memory_space<vmem>>, vector<1x16xf32>,
      %swap3A_262 = vector.shape_cast %swap3A_261 : vector<1x16xf32> to vector<16xf32>
      %swap3A_263 = vector.shape_cast %broadcast_in_dim3A_56 : vector<16xf32> to vector<1x16xf32>
      tpu.vector_store %arg10[%swap3A_259, %swap3A_260], %swap3A_263 {strides = array<i32>} : memref<128x128xf32, #tpu.memory_space<vmem>>, vector<1x16xf32>,
      %swap3A_264 = arith.index_cast %add3A_239 : i32 to index
      %swap3A_265 = arith.constant 80 : index
      %swap3A_266 = tpu.vector_load %arg10[%swap3A_264, %swap3A_265] {strides = array<i32>} : memref<128x128xf32, #tpu.memory_space<vmem>>, vector<1x16xf32>,
      %swap3A_267 = vector.shape_cast %swap3A_266 : vector<1x16xf32> to vector<16xf32>
      %swap3A_268 = vector.shape_cast %broadcast_in_dim3A_56 : vector<16xf32> to vector<1x16xf32>
      tpu.vector_store %arg10[%swap3A_264, %swap3A_265], %swap3A_268 {strides = array<i32>} : memref<128x128xf32, #tpu.memory_space<vmem>>, vector<1x16xf32>,
      %swap3A_269 = arith.index_cast %add3A_239 : i32 to index
      %swap3A_270 = arith.constant 96 : index
      %swap3A_271 = tpu.vector_load %arg10[%swap3A_269, %swap3A_270] {strides = array<i32>} : memref<128x128xf32, #tpu.memory_space<vmem>>, vector<1x16xf32>,
      %swap3A_272 = vector.shape_cast %swap3A_271 : vector<1x16xf32> to vector<16xf32>
      %swap3A_273 = vector.shape_cast %broadcast_in_dim3A_56 : vector<16xf32> to vector<1x16xf32>
      tpu.vector_store %arg10[%swap3A_269, %swap3A_270], %swap3A_273 {strides = array<i32>} : memref<128x128xf32, #tpu.memory_space<vmem>>, vector<1x16xf32>,
      %swap3A_274 = arith.index_cast %add3A_239 : i32 to index
      %swap3A_275 = arith.constant 112 : index
      %swap3A_276 = tpu.vector_load %arg10[%swap3A_274, %swap3A_275] {strides = array<i32>} : memref<128x128xf32, #tpu.memory_space<vmem>>, vector<1x16xf32>,
      %swap3A_277 = vector.shape_cast %swap3A_276 : vector<1x16xf32> to vector<16xf32>
      %swap3A_278 = vector.shape_cast %broadcast_in_dim3A_56 : vector<16xf32> to vector<1x16xf32>
      tpu.vector_store %arg10[%swap3A_274, %swap3A_275], %swap3A_278 {strides = array<i32>} : memref<128x128xf32, #tpu.memory_space<vmem>>, vector<1x16xf32>,
    }
    %scan3A_60 = arith.constant 128 : i32
    %mul3A_61 = arith.constant 640 : i32
    %mul3A_62 = arith.muli %arg1, %mul3A_61 : i32
    %add3A_63 = arith.constant 0 : i32
    %add3A_64 = arith.addi %mul3A_62, %add3A_63 : i32
    %dma_start3A_65 = arith.constant 0 : i32
    %dma_start3A_66 = tpu.memref_slice %arg6[%add3A_64, %dma_start3A_65] : memref<10240x128xf32, #tpu.memory_space<vmem_shared>> -> memref<128x128xf32, #tpu.memory_space<vmem_shared>>
    %dma_start3A_67 = arith.constant 0 : i32
    %dma_start3A_68 = tpu.memref_slice %arg6[%add3A_64, %dma_start3A_67] : memref<10240x128xf32, #tpu.memory_space<vmem_shared>> -> memref<128x128xf32, #tpu.memory_space<vmem_shared>>
    tpu.enqueue_dma source(%arg10 : memref<128x128xf32, #tpu.memory_space<vmem>>) target(%dma_start3A_68 : memref<128x128xf32, #tpu.memory_space<vmem_shared>>) target_semaphore(%arg15 : memref<!tpu.dma_semaphore, #tpu.memory_space<semaphore_mem>>)
    %mul3A_69 = arith.constant 640 : i32
    %mul3A_70 = arith.muli %arg1, %mul3A_69 : i32
    %add3A_71 = arith.constant 128 : i32
    %add3A_72 = arith.addi %mul3A_70, %add3A_71 : i32
    %dma_start3A_73 = arith.constant 0 : i32
    %dma_start3A_74 = tpu.memref_slice %arg6[%add3A_72, %dma_start3A_73] : memref<10240x128xf32, #tpu.memory_space<vmem_shared>> -> memref<128x128xf32, #tpu.memory_space<vmem_shared>>
    %dma_start3A_75 = arith.constant 0 : i32
    %dma_start3A_76 = tpu.memref_slice %arg6[%add3A_72, %dma_start3A_75] : memref<10240x128xf32, #tpu.memory_space<vmem_shared>> -> memref<128x128xf32, #tpu.memory_space<vmem_shared>>
    tpu.enqueue_dma source(%arg10 : memref<128x128xf32, #tpu.memory_space<vmem>>) target(%dma_start3A_76 : memref<128x128xf32, #tpu.memory_space<vmem_shared>>) target_semaphore(%arg15 : memref<!tpu.dma_semaphore, #tpu.memory_space<semaphore_mem>>)
    %mul3A_77 = arith.constant 640 : i32
    %mul3A_78 = arith.muli %arg1, %mul3A_77 : i32
    %add3A_79 = arith.constant 256 : i32
    %add3A_80 = arith.addi %mul3A_78, %add3A_79 : i32
    %dma_start3A_81 = arith.constant 0 : i32
    %dma_start3A_82 = tpu.memref_slice %arg6[%add3A_80, %dma_start3A_81] : memref<10240x128xf32, #tpu.memory_space<vmem_shared>> -> memref<128x128xf32, #tpu.memory_space<vmem_shared>>
    %dma_start3A_83 = arith.constant 0 : i32
    %dma_start3A_84 = tpu.memref_slice %arg6[%add3A_80, %dma_start3A_83] : memref<10240x128xf32, #tpu.memory_space<vmem_shared>> -> memref<128x128xf32, #tpu.memory_space<vmem_shared>>
    tpu.enqueue_dma source(%arg10 : memref<128x128xf32, #tpu.memory_space<vmem>>) target(%dma_start3A_84 : memref<128x128xf32, #tpu.memory_space<vmem_shared>>) target_semaphore(%arg15 : memref<!tpu.dma_semaphore, #tpu.memory_space<semaphore_mem>>)
    %mul3A_85 = arith.constant 640 : i32
    %mul3A_86 = arith.muli %arg1, %mul3A_85 : i32
    %add3A_87 = arith.constant 384 : i32
    %add3A_88 = arith.addi %mul3A_86, %add3A_87 : i32
    %dma_start3A_89 = arith.constant 0 : i32
    %dma_start3A_90 = tpu.memref_slice %arg6[%add3A_88, %dma_start3A_89] : memref<10240x128xf32, #tpu.memory_space<vmem_shared>> -> memref<128x128xf32, #tpu.memory_space<vmem_shared>>
    %dma_start3A_91 = arith.constant 0 : i32
    %dma_start3A_92 = tpu.memref_slice %arg6[%add3A_88, %dma_start3A_91] : memref<10240x128xf32, #tpu.memory_space<vmem_shared>> -> memref<128x128xf32, #tpu.memory_space<vmem_shared>>
    tpu.enqueue_dma source(%arg10 : memref<128x128xf32, #tpu.memory_space<vmem>>) target(%dma_start3A_92 : memref<128x128xf32, #tpu.memory_space<vmem_shared>>) target_semaphore(%arg15 : memref<!tpu.dma_semaphore, #tpu.memory_space<semaphore_mem>>)
    %mul3A_93 = arith.constant 640 : i32
    %mul3A_94 = arith.muli %arg1, %mul3A_93 : i32
    %add3A_95 = arith.constant 512 : i32
    %add3A_96 = arith.addi %mul3A_94, %add3A_95 : i32
    %dma_start3A_97 = arith.constant 0 : i32
    %dma_start3A_98 = tpu.memref_slice %arg6[%add3A_96, %dma_start3A_97] : memref<10240x128xf32, #tpu.memory_space<vmem_shared>> -> memref<128x128xf32, #tpu.memory_space<vmem_shared>>
    %dma_start3A_99 = arith.constant 0 : i32
    %dma_start3A_100 = tpu.memref_slice %arg6[%add3A_96, %dma_start3A_99] : memref<10240x128xf32, #tpu.memory_space<vmem_shared>> -> memref<128x128xf32, #tpu.memory_space<vmem_shared>>
    tpu.enqueue_dma source(%arg10 : memref<128x128xf32, #tpu.memory_space<vmem>>) target(%dma_start3A_100 : memref<128x128xf32, #tpu.memory_space<vmem_shared>>) target_semaphore(%arg15 : memref<!tpu.dma_semaphore, #tpu.memory_space<semaphore_mem>>)
    %dma_wait3A = arith.constant 0 : i32
    %dma_wait3A_101 = arith.constant 0 : i32
    %dma_wait3A_102 = arith.constant 0 : i32
    %dma_wait3A_103 = tpu.memref_slice %arg7[%dma_wait3A_101, %dma_wait3A_102] : memref<2x128xi32, #tpu.memory_space<vmem>> -> memref<1x128xi32, #tpu.memory_space<vmem>>
    %dma_wait3A_104 = tpu.memref_squeeze %dma_wait3A_103 : memref<1x128xi32, #tpu.memory_space<vmem>> -> memref<128xi32, #tpu.memory_space<vmem>>
    %dma_wait3A_105 = arith.constant 0 : i32
    %dma_wait3A_106 = tpu.memref_slice %arg3[%add3A, %dma_wait3A, %dma_wait3A_105] : memref<32x80x128xi32, #tpu.memory_space<hbm>> -> memref<1x1x128xi32, #tpu.memory_space<hbm>>
    %dma_wait3A_107 = tpu.memref_squeeze %dma_wait3A_106 : memref<1x1x128xi32, #tpu.memory_space<hbm>> -> memref<128xi32, #tpu.memory_space<hbm>>
    %dma_wait3A_108 = arith.constant 0 : i32
    %dma_wait3A_109 = tpu.memref_slice %arg7[%dma_wait3A_101, %dma_wait3A_108] : memref<2x128xi32, #tpu.memory_space<vmem>> -> memref<1x128xi32, #tpu.memory_space<vmem>>
    %dma_wait3A_110 = tpu.memref_squeeze %dma_wait3A_109 : memref<1x128xi32, #tpu.memory_space<vmem>> -> memref<128xi32, #tpu.memory_space<vmem>>
    %dma_wait3A_111 = arith.constant 0 : i32
    %dma_wait3A_112 = tpu.memref_slice %arg3[%add3A, %dma_wait3A, %dma_wait3A_111] : memref<32x80x128xi32, #tpu.memory_space<hbm>> -> memref<1x1x128xi32, #tpu.memory_space<hbm>>
    %dma_wait3A_113 = tpu.memref_squeeze %dma_wait3A_112 : memref<1x1x128xi32, #tpu.memory_space<hbm>> -> memref<128xi32, #tpu.memory_space<hbm>>
    tpu.wait_dma2 semaphore(%arg13 : memref<!tpu.dma_semaphore, #tpu.memory_space<semaphore_mem>>) src(%dma_wait3A_113 : memref<128xi32, #tpu.memory_space<hbm>>) dst(%dma_wait3A_110 : memref<128xi32, #tpu.memory_space<vmem>>)
    %dma_wait3A_114 = arith.constant 0 : i32
    %dma_wait3A_115 = arith.constant 0 : i32
    %dma_wait3A_116 = arith.constant 0 : i32
    %dma_wait3A_117 = tpu.memref_slice %arg8[%dma_wait3A_115, %dma_wait3A_116] : memref<2x128xi32, #tpu.memory_space<vmem>> -> memref<1x128xi32, #tpu.memory_space<vmem>>
    %dma_wait3A_118 = tpu.memref_squeeze %dma_wait3A_117 : memref<1x128xi32, #tpu.memory_space<vmem>> -> memref<128xi32, #tpu.memory_space<vmem>>
    %dma_wait3A_119 = arith.constant 0 : i32
    %dma_wait3A_120 = tpu.memref_slice %arg4[%add3A, %dma_wait3A_114, %dma_wait3A_119] : memref<32x80x128xi32, #tpu.memory_space<hbm>> -> memref<1x1x128xi32, #tpu.memory_space<hbm>>
    %dma_wait3A_121 = tpu.memref_squeeze %dma_wait3A_120 : memref<1x1x128xi32, #tpu.memory_space<hbm>> -> memref<128xi32, #tpu.memory_space<hbm>>
    %dma_wait3A_122 = arith.constant 0 : i32
    %dma_wait3A_123 = tpu.memref_slice %arg8[%dma_wait3A_115, %dma_wait3A_122] : memref<2x128xi32, #tpu.memory_space<vmem>> -> memref<1x128xi32, #tpu.memory_space<vmem>>
    %dma_wait3A_124 = tpu.memref_squeeze %dma_wait3A_123 : memref<1x128xi32, #tpu.memory_space<vmem>> -> memref<128xi32, #tpu.memory_space<vmem>>
    %dma_wait3A_125 = arith.constant 0 : i32
    %dma_wait3A_126 = tpu.memref_slice %arg4[%add3A, %dma_wait3A_114, %dma_wait3A_125] : memref<32x80x128xi32, #tpu.memory_space<hbm>> -> memref<1x1x128xi32, #tpu.memory_space<hbm>>
    %dma_wait3A_127 = tpu.memref_squeeze %dma_wait3A_126 : memref<1x1x128xi32, #tpu.memory_space<hbm>> -> memref<128xi32, #tpu.memory_space<hbm>>
    tpu.wait_dma2 semaphore(%arg13 : memref<!tpu.dma_semaphore, #tpu.memory_space<semaphore_mem>>) src(%dma_wait3A_127 : memref<128xi32, #tpu.memory_space<hbm>>) dst(%dma_wait3A_124 : memref<128xi32, #tpu.memory_space<vmem>>)
    %dma_start3A_128 = arith.constant 0 : i32
    %dma_start3A_129 = arith.constant 0 : i32
    %dma_start3A_130 = tpu.memref_slice %arg7[%dma_start3A_128, %dma_start3A_129] : memref<2x128xi32, #tpu.memory_space<vmem>> -> memref<1x128xi32, #tpu.memory_space<vmem>>
    %dma_start3A_131 = tpu.memref_squeeze %dma_start3A_130 : memref<1x128xi32, #tpu.memory_space<vmem>> -> memref<128xi32, #tpu.memory_space<vmem>>
    %dma_start3A_132 = arith.constant 0 : i32
    %dma_start3A_133 = arith.constant 0 : i32
    %dma_start3A_134 = tpu.memref_slice %arg2[%dma_start3A_132, %dma_start3A_133] : memref<10000x128xf32, #tpu.memory_space<hbm>> -> memref<10000x128xf32, #tpu.memory_space<hbm>>
    tpu.enqueue_indirect_dma source(%dma_start3A_134 : memref<10000x128xf32, #tpu.memory_space<hbm>>) target(%arg9 : memref<128x128xf32, #tpu.memory_space<vmem>>) offsets(%dma_start3A_131 : memref<128xi32, #tpu.memory_space<vmem>>) semaphore(%arg11 : memref<!tpu.dma_semaphore, #tpu.memory_space<semaphore_mem>>)
    %mul3A_135 = arith.constant 640 : i32
    %mul3A_136 = arith.muli %arg1, %mul3A_135 : i32
    %add3A_137 = arith.constant 0 : i32
    %add3A_138 = arith.addi %mul3A_136, %add3A_137 : i32
    %dma_wait3A_139 = arith.constant 0 : i32
    %dma_wait3A_140 = tpu.memref_slice %arg6[%add3A_138, %dma_wait3A_139] : memref<10240x128xf32, #tpu.memory_space<vmem_shared>> -> memref<128x128xf32, #tpu.memory_space<vmem_shared>>
    %dma_wait3A_141 = arith.constant 0 : i32
    %dma_wait3A_142 = tpu.memref_slice %arg6[%add3A_138, %dma_wait3A_141] : memref<10240x128xf32, #tpu.memory_space<vmem_shared>> -> memref<128x128xf32, #tpu.memory_space<vmem_shared>>
    tpu.wait_dma2 semaphore(%arg15 : memref<!tpu.dma_semaphore, #tpu.memory_space<semaphore_mem>>) src(%arg10 : memref<128x128xf32, #tpu.memory_space<vmem>>) dst(%dma_wait3A_142 : memref<128x128xf32, #tpu.memory_space<vmem_shared>>)
    %mul3A_143 = arith.constant 640 : i32
    %mul3A_144 = arith.muli %arg1, %mul3A_143 : i32
    %add3A_145 = arith.constant 128 : i32
    %add3A_146 = arith.addi %mul3A_144, %add3A_145 : i32
    %dma_wait3A_147 = arith.constant 0 : i32
    %dma_wait3A_148 = tpu.memref_slice %arg6[%add3A_146, %dma_wait3A_147] : memref<10240x128xf32, #tpu.memory_space<vmem_shared>> -> memref<128x128xf32, #tpu.memory_space<vmem_shared>>
    %dma_wait3A_149 = arith.constant 0 : i32
    %dma_wait3A_150 = tpu.memref_slice %arg6[%add3A_146, %dma_wait3A_149] : memref<10240x128xf32, #tpu.memory_space<vmem_shared>> -> memref<128x128xf32, #tpu.memory_space<vmem_shared>>
    tpu.wait_dma2 semaphore(%arg15 : memref<!tpu.dma_semaphore, #tpu.memory_space<semaphore_mem>>) src(%arg10 : memref<128x128xf32, #tpu.memory_space<vmem>>) dst(%dma_wait3A_150 : memref<128x128xf32, #tpu.memory_space<vmem_shared>>)
    %mul3A_151 = arith.constant 640 : i32
    %mul3A_152 = arith.muli %arg1, %mul3A_151 : i32
    %add3A_153 = arith.constant 256 : i32
    %add3A_154 = arith.addi %mul3A_152, %add3A_153 : i32
    %dma_wait3A_155 = arith.constant 0 : i32
    %dma_wait3A_156 = tpu.memref_slice %arg6[%add3A_154, %dma_wait3A_155] : memref<10240x128xf32, #tpu.memory_space<vmem_shared>> -> memref<128x128xf32, #tpu.memory_space<vmem_shared>>
    %dma_wait3A_157 = arith.constant 0 : i32
    %dma_wait3A_158 = tpu.memref_slice %arg6[%add3A_154, %dma_wait3A_157] : memref<10240x128xf32, #tpu.memory_space<vmem_shared>> -> memref<128x128xf32, #tpu.memory_space<vmem_shared>>
    tpu.wait_dma2 semaphore(%arg15 : memref<!tpu.dma_semaphore, #tpu.memory_space<semaphore_mem>>) src(%arg10 : memref<128x128xf32, #tpu.memory_space<vmem>>) dst(%dma_wait3A_158 : memref<128x128xf32, #tpu.memory_space<vmem_shared>>)
    %mul3A_159 = arith.constant 640 : i32
    %mul3A_160 = arith.muli %arg1, %mul3A_159 : i32
    %add3A_161 = arith.constant 384 : i32
    %add3A_162 = arith.addi %mul3A_160, %add3A_161 : i32
    %dma_wait3A_163 = arith.constant 0 : i32
    %dma_wait3A_164 = tpu.memref_slice %arg6[%add3A_162, %dma_wait3A_163] : memref<10240x128xf32, #tpu.memory_space<vmem_shared>> -> memref<128x128xf32, #tpu.memory_space<vmem_shared>>
    %dma_wait3A_165 = arith.constant 0 : i32
    %dma_wait3A_166 = tpu.memref_slice %arg6[%add3A_162, %dma_wait3A_165] : memref<10240x128xf32, #tpu.memory_space<vmem_shared>> -> memref<128x128xf32, #tpu.memory_space<vmem_shared>>
    tpu.wait_dma2 semaphore(%arg15 : memref<!tpu.dma_semaphore, #tpu.memory_space<semaphore_mem>>) src(%arg10 : memref<128x128xf32, #tpu.memory_space<vmem>>) dst(%dma_wait3A_166 : memref<128x128xf32, #tpu.memory_space<vmem_shared>>)
    %mul3A_167 = arith.constant 640 : i32
    %mul3A_168 = arith.muli %arg1, %mul3A_167 : i32
    %add3A_169 = arith.constant 512 : i32
    %add3A_170 = arith.addi %mul3A_168, %add3A_169 : i32
    %dma_wait3A_171 = arith.constant 0 : i32
    %dma_wait3A_172 = tpu.memref_slice %arg6[%add3A_170, %dma_wait3A_171] : memref<10240x128xf32, #tpu.memory_space<vmem_shared>> -> memref<128x128xf32, #tpu.memory_space<vmem_shared>>
    %dma_wait3A_173 = arith.constant 0 : i32
    %dma_wait3A_174 = tpu.memref_slice %arg6[%add3A_170, %dma_wait3A_173] : memref<10240x128xf32, #tpu.memory_space<vmem_shared>> -> memref<128x128xf32, #tpu.memory_space<vmem_shared>>
    tpu.wait_dma2 semaphore(%arg15 : memref<!tpu.dma_semaphore, #tpu.memory_space<semaphore_mem>>) src(%arg10 : memref<128x128xf32, #tpu.memory_space<vmem>>) dst(%dma_wait3A_174 : memref<128x128xf32, #tpu.memory_space<vmem_shared>>)
    %barrier3A = arith.constant 0 : index
    tpu.barrier barrier_id(%barrier3A)
    %scan3A_175 = arith.constant 0 : i32
    %scan3A_176 = arith.constant 39 : i32
    %scan3A_177 = arith.addi %scan3A_175, %scan3A_176 : i32
    %scan3A_178 = arith.constant 1 : i32
    scf.for %scan3A_235 = %scan3A_175 to %scan3A_177 step %scan3A_178  : i32 {
      %mul3A_236 = arith.constant 1 : i32
      %mul3A_237 = arith.muli %scan3A_235, %mul3A_236 : i32
      %add3A_238 = arith.constant 0 : i32
      %add3A_239 = arith.addi %add3A_238, %mul3A_237 : i32
      %mul3A_240 = arith.constant 2 : i32
      %mul3A_241 = arith.muli %add3A_239, %mul3A_240 : i32
      %dma_wait3A_242 = arith.constant 0 : i32
      %dma_wait3A_243 = arith.constant 1 : i32
      %dma_wait3A_244 = arith.constant 0 : i32
      %dma_wait3A_245 = tpu.memref_slice %arg7[%dma_wait3A_243, %dma_wait3A_244] : memref<2x128xi32, #tpu.memory_space<vmem>> -> memref<1x128xi32, #tpu.memory_space<vmem>>
      %dma_wait3A_246 = tpu.memref_squeeze %dma_wait3A_245 : memref<1x128xi32, #tpu.memory_space<vmem>> -> memref<128xi32, #tpu.memory_space<vmem>>
      %dma_wait3A_247 = arith.constant 0 : i32
      %dma_wait3A_248 = tpu.memref_slice %arg3[%add3A, %dma_wait3A_242, %dma_wait3A_247] : memref<32x80x128xi32, #tpu.memory_space<hbm>> -> memref<1x1x128xi32, #tpu.memory_space<hbm>>
      %dma_wait3A_249 = tpu.memref_squeeze %dma_wait3A_248 : memref<1x1x128xi32, #tpu.memory_space<hbm>> -> memref<128xi32, #tpu.memory_space<hbm>>
      %dma_wait3A_250 = arith.constant 0 : i32
      %dma_wait3A_251 = tpu.memref_slice %arg7[%dma_wait3A_243, %dma_wait3A_250] : memref<2x128xi32, #tpu.memory_space<vmem>> -> memref<1x128xi32, #tpu.memory_space<vmem>>
      %dma_wait3A_252 = tpu.memref_squeeze %dma_wait3A_251 : memref<1x128xi32, #tpu.memory_space<vmem>> -> memref<128xi32, #tpu.memory_space<vmem>>
      %dma_wait3A_253 = arith.constant 0 : i32
      %dma_wait3A_254 = tpu.memref_slice %arg3[%add3A, %dma_wait3A_242, %dma_wait3A_253] : memref<32x80x128xi32, #tpu.memory_space<hbm>> -> memref<1x1x128xi32, #tpu.memory_space<hbm>>
      %dma_wait3A_255 = tpu.memref_squeeze %dma_wait3A_254 : memref<1x1x128xi32, #tpu.memory_space<hbm>> -> memref<128xi32, #tpu.memory_space<hbm>>
      tpu.wait_dma2 semaphore(%arg14 : memref<!tpu.dma_semaphore, #tpu.memory_space<semaphore_mem>>) src(%dma_wait3A_255 : memref<128xi32, #tpu.memory_space<hbm>>) dst(%dma_wait3A_252 : memref<128xi32, #tpu.memory_space<vmem>>)
      %dma_wait3A_256 = arith.constant 0 : i32
      %dma_wait3A_257 = arith.constant 1 : i32
      %dma_wait3A_258 = arith.constant 0 : i32
      %dma_wait3A_259 = tpu.memref_slice %arg8[%dma_wait3A_257, %dma_wait3A_258] : memref<2x128xi32, #tpu.memory_space<vmem>> -> memref<1x128xi32, #tpu.memory_space<vmem>>
      %dma_wait3A_260 = tpu.memref_squeeze %dma_wait3A_259 : memref<1x128xi32, #tpu.memory_space<vmem>> -> memref<128xi32, #tpu.memory_space<vmem>>
      %dma_wait3A_261 = arith.constant 0 : i32
      %dma_wait3A_262 = tpu.memref_slice %arg4[%add3A, %dma_wait3A_256, %dma_wait3A_261] : memref<32x80x128xi32, #tpu.memory_space<hbm>> -> memref<1x1x128xi32, #tpu.memory_space<hbm>>
      %dma_wait3A_263 = tpu.memref_squeeze %dma_wait3A_262 : memref<1x1x128xi32, #tpu.memory_space<hbm>> -> memref<128xi32, #tpu.memory_space<hbm>>
      %dma_wait3A_264 = arith.constant 0 : i32
      %dma_wait3A_265 = tpu.memref_slice %arg8[%dma_wait3A_257, %dma_wait3A_264] : memref<2x128xi32, #tpu.memory_space<vmem>> -> memref<1x128xi32, #tpu.memory_space<vmem>>
      %dma_wait3A_266 = tpu.memref_squeeze %dma_wait3A_265 : memref<1x128xi32, #tpu.memory_space<vmem>> -> memref<128xi32, #tpu.memory_space<vmem>>
      %dma_wait3A_267 = arith.constant 0 : i32
      %dma_wait3A_268 = tpu.memref_slice %arg4[%add3A, %dma_wait3A_256, %dma_wait3A_267] : memref<32x80x128xi32, #tpu.memory_space<hbm>> -> memref<1x1x128xi32, #tpu.memory_space<hbm>>
      %dma_wait3A_269 = tpu.memref_squeeze %dma_wait3A_268 : memref<1x1x128xi32, #tpu.memory_space<hbm>> -> memref<128xi32, #tpu.memory_space<hbm>>
      tpu.wait_dma2 semaphore(%arg14 : memref<!tpu.dma_semaphore, #tpu.memory_space<semaphore_mem>>) src(%dma_wait3A_269 : memref<128xi32, #tpu.memory_space<hbm>>) dst(%dma_wait3A_266 : memref<128xi32, #tpu.memory_space<vmem>>)
      %dma_start3A_270 = arith.constant 1 : i32
      %dma_start3A_271 = arith.constant 0 : i32
      %dma_start3A_272 = tpu.memref_slice %arg7[%dma_start3A_270, %dma_start3A_271] : memref<2x128xi32, #tpu.memory_space<vmem>> -> memref<1x128xi32, #tpu.memory_space<vmem>>
      %dma_start3A_273 = tpu.memref_squeeze %dma_start3A_272 : memref<1x128xi32, #tpu.memory_space<vmem>> -> memref<128xi32, #tpu.memory_space<vmem>>
      %dma_start3A_274 = arith.constant 0 : i32
      %dma_start3A_275 = arith.constant 0 : i32
      %dma_start3A_276 = tpu.memref_slice %arg2[%dma_start3A_274, %dma_start3A_275] : memref<10000x128xf32, #tpu.memory_space<hbm>> -> memref<10000x128xf32, #tpu.memory_space<hbm>>
      tpu.enqueue_indirect_dma source(%dma_start3A_276 : memref<10000x128xf32, #tpu.memory_space<hbm>>) target(%arg10 : memref<128x128xf32, #tpu.memory_space<vmem>>) offsets(%dma_start3A_273 : memref<128xi32, #tpu.memory_space<vmem>>) semaphore(%arg12 : memref<!tpu.dma_semaphore, #tpu.memory_space<semaphore_mem>>)
      %dma_wait3A_277 = arith.constant 0 : i32
      %dma_wait3A_278 = arith.constant 0 : i32
      %dma_wait3A_279 = tpu.memref_slice %arg7[%dma_wait3A_277, %dma_wait3A_278] : memref<2x128xi32, #tpu.memory_space<vmem>> -> memref<1x128xi32, #tpu.memory_space<vmem>>
      %dma_wait3A_280 = tpu.memref_squeeze %dma_wait3A_279 : memref<1x128xi32, #tpu.memory_space<vmem>> -> memref<128xi32, #tpu.memory_space<vmem>>
      %dma_wait3A_281 = arith.constant 0 : i32
      %dma_wait3A_282 = arith.constant 0 : i32
      %dma_wait3A_283 = tpu.memref_slice %arg2[%dma_wait3A_281, %dma_wait3A_282] : memref<10000x128xf32, #tpu.memory_space<hbm>> -> memref<10000x128xf32, #tpu.memory_space<hbm>>
      tpu.wait_indirect_dma semaphore(%arg11 : memref<!tpu.dma_semaphore, #tpu.memory_space<semaphore_mem>>) src(%dma_wait3A_283 : memref<10000x128xf32, #tpu.memory_space<hbm>>) dst(%arg9 : memref<128x128xf32, #tpu.memory_space<vmem>>)
      %run_scoped3A_284 = arith.constant 0 : i32
      "tpu.region"() ({
        %run_scoped3A_384 = tpu.sem_alloc : memref<!tpu.dma_semaphore, #tpu.memory_space<semaphore_mem>>
        %dma_start3A_385 = arith.constant 0 : i32
        %dma_start3A_386 = tpu.memref_slice %arg8[%run_scoped3A_284, %dma_start3A_385] : memref<2x128xi32, #tpu.memory_space<vmem>> -> memref<1x128xi32, #tpu.memory_space<vmem>>
        %dma_start3A_387 = tpu.memref_squeeze %dma_start3A_386 : memref<1x128xi32, #tpu.memory_space<vmem>> -> memref<128xi32, #tpu.memory_space<vmem>>
        %dma_start3A_388 = arith.constant 0 : i32
        %dma_start3A_389 = arith.constant 0 : i32
        %dma_start3A_390 = tpu.memref_slice %arg6[%dma_start3A_388, %dma_start3A_389] : memref<10240x128xf32, #tpu.memory_space<vmem_shared>> -> memref<10240x128xf32, #tpu.memory_space<vmem_shared>>
        tpu.enqueue_indirect_dma source(%arg9 : memref<128x128xf32, #tpu.memory_space<vmem>>) target(%dma_start3A_390 : memref<10240x128xf32, #tpu.memory_space<vmem_shared>>) offsets(%dma_start3A_387 : memref<128xi32, #tpu.memory_space<vmem>>) semaphore(%run_scoped3A_384 : memref<!tpu.dma_semaphore, #tpu.memory_space<semaphore_mem>>) {add = true}
        %dma_wait3A_391 = arith.constant 0 : i32
        %dma_wait3A_392 = tpu.memref_slice %arg8[%run_scoped3A_284, %dma_wait3A_391] : memref<2x128xi32, #tpu.memory_space<vmem>> -> memref<1x128xi32, #tpu.memory_space<vmem>>
        %dma_wait3A_393 = tpu.memref_squeeze %dma_wait3A_392 : memref<1x128xi32, #tpu.memory_space<vmem>> -> memref<128xi32, #tpu.memory_space<vmem>>
        %dma_wait3A_394 = arith.constant 0 : i32
        %dma_wait3A_395 = arith.constant 0 : i32
        %dma_wait3A_396 = tpu.memref_slice %arg6[%dma_wait3A_394, %dma_wait3A_395] : memref<10240x128xf32, #tpu.memory_space<vmem_shared>> -> memref<10240x128xf32, #tpu.memory_space<vmem_shared>>
        tpu.wait_indirect_dma semaphore(%run_scoped3A_384 : memref<!tpu.dma_semaphore, #tpu.memory_space<semaphore_mem>>) src(%arg9 : memref<128x128xf32, #tpu.memory_space<vmem>>) dst(%dma_wait3A_396 : memref<10240x128xf32, #tpu.memory_space<vmem_shared>>)
        tpu.yield
      }) : () -> ()
      %add3A_285 = arith.constant 2 : i32
      %add3A_286 = arith.addi %mul3A_241, %add3A_285 : i32
      %dma_start3A_287 = arith.constant 0 : i32
      %dma_start3A_288 = arith.constant 0 : i32
      %dma_start3A_289 = tpu.memref_slice %arg7[%dma_start3A_287, %dma_start3A_288] : memref<2x128xi32, #tpu.memory_space<vmem>> -> memref<1x128xi32, #tpu.memory_space<vmem>>
      %dma_start3A_290 = tpu.memref_squeeze %dma_start3A_289 : memref<1x128xi32, #tpu.memory_space<vmem>> -> memref<128xi32, #tpu.memory_space<vmem>>
      %dma_start3A_291 = arith.constant 0 : i32
      %dma_start3A_292 = tpu.memref_slice %arg3[%add3A, %add3A_286, %dma_start3A_291] : memref<32x80x128xi32, #tpu.memory_space<hbm>> -> memref<1x1x128xi32, #tpu.memory_space<hbm>>
      %dma_start3A_293 = tpu.memref_squeeze %dma_start3A_292 : memref<1x1x128xi32, #tpu.memory_space<hbm>> -> memref<128xi32, #tpu.memory_space<hbm>>
      %dma_start3A_294 = arith.constant 0 : i32
      %dma_start3A_295 = tpu.memref_slice %arg7[%dma_start3A_287, %dma_start3A_294] : memref<2x128xi32, #tpu.memory_space<vmem>> -> memref<1x128xi32, #tpu.memory_space<vmem>>
      %dma_start3A_296 = tpu.memref_squeeze %dma_start3A_295 : memref<1x128xi32, #tpu.memory_space<vmem>> -> memref<128xi32, #tpu.memory_space<vmem>>
      %dma_start3A_297 = arith.constant 0 : i32
      %dma_start3A_298 = tpu.memref_slice %arg3[%add3A, %add3A_286, %dma_start3A_297] : memref<32x80x128xi32, #tpu.memory_space<hbm>> -> memref<1x1x128xi32, #tpu.memory_space<hbm>>
      %dma_start3A_299 = tpu.memref_squeeze %dma_start3A_298 : memref<1x1x128xi32, #tpu.memory_space<hbm>> -> memref<128xi32, #tpu.memory_space<hbm>>
      tpu.enqueue_dma source(%dma_start3A_299 : memref<128xi32, #tpu.memory_space<hbm>>) target(%dma_start3A_296 : memref<128xi32, #tpu.memory_space<vmem>>) target_semaphore(%arg13 : memref<!tpu.dma_semaphore, #tpu.memory_space<semaphore_mem>>)
      %dma_start3A_300 = arith.constant 0 : i32
      %dma_start3A_301 = arith.constant 0 : i32
      %dma_start3A_302 = tpu.memref_slice %arg8[%dma_start3A_300, %dma_start3A_301] : memref<2x128xi32, #tpu.memory_space<vmem>> -> memref<1x128xi32, #tpu.memory_space<vmem>>
      %dma_start3A_303 = tpu.memref_squeeze %dma_start3A_302 : memref<1x128xi32, #tpu.memory_space<vmem>> -> memref<128xi32, #tpu.memory_space<vmem>>
      %dma_start3A_304 = arith.constant 0 : i32
      %dma_start3A_305 = tpu.memref_slice %arg4[%add3A, %add3A_286, %dma_start3A_304] : memref<32x80x128xi32, #tpu.memory_space<hbm>> -> memref<1x1x128xi32, #tpu.memory_space<hbm>>
      %dma_start3A_306 = tpu.memref_squeeze %dma_start3A_305 : memref<1x1x128xi32, #tpu.memory_space<hbm>> -> memref<128xi32, #tpu.memory_space<hbm>>
      %dma_start3A_307 = arith.constant 0 : i32
      %dma_start3A_308 = tpu.memref_slice %arg8[%dma_start3A_300, %dma_start3A_307] : memref<2x128xi32, #tpu.memory_space<vmem>> -> memref<1x128xi32, #tpu.memory_space<vmem>>
      %dma_start3A_309 = tpu.memref_squeeze %dma_start3A_308 : memref<1x128xi32, #tpu.memory_space<vmem>> -> memref<128xi32, #tpu.memory_space<vmem>>
      %dma_start3A_310 = arith.constant 0 : i32
      %dma_start3A_311 = tpu.memref_slice %arg4[%add3A, %add3A_286, %dma_start3A_310] : memref<32x80x128xi32, #tpu.memory_space<hbm>> -> memref<1x1x128xi32, #tpu.memory_space<hbm>>
      %dma_start3A_312 = tpu.memref_squeeze %dma_start3A_311 : memref<1x1x128xi32, #tpu.memory_space<hbm>> -> memref<128xi32, #tpu.memory_space<hbm>>
      tpu.enqueue_dma source(%dma_start3A_312 : memref<128xi32, #tpu.memory_space<hbm>>) target(%dma_start3A_309 : memref<128xi32, #tpu.memory_space<vmem>>) target_semaphore(%arg13 : memref<!tpu.dma_semaphore, #tpu.memory_space<semaphore_mem>>)
      %dma_wait3A_313 = arith.constant 1 : i32
      %dma_wait3A_314 = arith.constant 0 : i32
      %dma_wait3A_315 = tpu.memref_slice %arg7[%dma_wait3A_313, %dma_wait3A_314] : memref<2x128xi32, #tpu.memory_space<vmem>> -> memref<1x128xi32, #tpu.memory_space<vmem>>
      %dma_wait3A_316 = tpu.memref_squeeze %dma_wait3A_315 : memref<1x128xi32, #tpu.memory_space<vmem>> -> memref<128xi32, #tpu.memory_space<vmem>>
      %dma_wait3A_317 = arith.constant 0 : i32
      %dma_wait3A_318 = arith.constant 0 : i32
      %dma_wait3A_319 = tpu.memref_slice %arg2[%dma_wait3A_317, %dma_wait3A_318] : memref<10000x128xf32, #tpu.memory_space<hbm>> -> memref<10000x128xf32, #tpu.memory_space<hbm>>
      tpu.wait_indirect_dma semaphore(%arg12 : memref<!tpu.dma_semaphore, #tpu.memory_space<semaphore_mem>>) src(%dma_wait3A_319 : memref<10000x128xf32, #tpu.memory_space<hbm>>) dst(%arg10 : memref<128x128xf32, #tpu.memory_space<vmem>>)
      %run_scoped3A_320 = arith.constant 1 : i32
      "tpu.region"() ({
        %run_scoped3A_384 = tpu.sem_alloc : memref<!tpu.dma_semaphore, #tpu.memory_space<semaphore_mem>>
        %dma_start3A_385 = arith.constant 0 : i32
        %dma_start3A_386 = tpu.memref_slice %arg8[%run_scoped3A_320, %dma_start3A_385] : memref<2x128xi32, #tpu.memory_space<vmem>> -> memref<1x128xi32, #tpu.memory_space<vmem>>
        %dma_start3A_387 = tpu.memref_squeeze %dma_start3A_386 : memref<1x128xi32, #tpu.memory_space<vmem>> -> memref<128xi32, #tpu.memory_space<vmem>>
        %dma_start3A_388 = arith.constant 0 : i32
        %dma_start3A_389 = arith.constant 0 : i32
        %dma_start3A_390 = tpu.memref_slice %arg6[%dma_start3A_388, %dma_start3A_389] : memref<10240x128xf32, #tpu.memory_space<vmem_shared>> -> memref<10240x128xf32, #tpu.memory_space<vmem_shared>>
        tpu.enqueue_indirect_dma source(%arg10 : memref<128x128xf32, #tpu.memory_space<vmem>>) target(%dma_start3A_390 : memref<10240x128xf32, #tpu.memory_space<vmem_shared>>) offsets(%dma_start3A_387 : memref<128xi32, #tpu.memory_space<vmem>>) semaphore(%run_scoped3A_384 : memref<!tpu.dma_semaphore, #tpu.memory_space<semaphore_mem>>) {add = true}
        %dma_wait3A_391 = arith.constant 0 : i32
        %dma_wait3A_392 = tpu.memref_slice %arg8[%run_scoped3A_320, %dma_wait3A_391] : memref<2x128xi32, #tpu.memory_space<vmem>> -> memref<1x128xi32, #tpu.memory_space<vmem>>
        %dma_wait3A_393 = tpu.memref_squeeze %dma_wait3A_392 : memref<1x128xi32, #tpu.memory_space<vmem>> -> memref<128xi32, #tpu.memory_space<vmem>>
        %dma_wait3A_394 = arith.constant 0 : i32
        %dma_wait3A_395 = arith.constant 0 : i32
        %dma_wait3A_396 = tpu.memref_slice %arg6[%dma_wait3A_394, %dma_wait3A_395] : memref<10240x128xf32, #tpu.memory_space<vmem_shared>> -> memref<10240x128xf32, #tpu.memory_space<vmem_shared>>
        tpu.wait_indirect_dma semaphore(%run_scoped3A_384 : memref<!tpu.dma_semaphore, #tpu.memory_space<semaphore_mem>>) src(%arg10 : memref<128x128xf32, #tpu.memory_space<vmem>>) dst(%dma_wait3A_396 : memref<10240x128xf32, #tpu.memory_space<vmem_shared>>)
        tpu.yield
      }) : () -> ()
      %add3A_321 = arith.constant 3 : i32
      %add3A_322 = arith.addi %mul3A_241, %add3A_321 : i32
      %dma_start3A_323 = arith.constant 1 : i32
      %dma_start3A_324 = arith.constant 0 : i32
      %dma_start3A_325 = tpu.memref_slice %arg7[%dma_start3A_323, %dma_start3A_324] : memref<2x128xi32, #tpu.memory_space<vmem>> -> memref<1x128xi32, #tpu.memory_space<vmem>>
      %dma_start3A_326 = tpu.memref_squeeze %dma_start3A_325 : memref<1x128xi32, #tpu.memory_space<vmem>> -> memref<128xi32, #tpu.memory_space<vmem>>
      %dma_start3A_327 = arith.constant 0 : i32
      %dma_start3A_328 = tpu.memref_slice %arg3[%add3A, %add3A_322, %dma_start3A_327] : memref<32x80x128xi32, #tpu.memory_space<hbm>> -> memref<1x1x128xi32, #tpu.memory_space<hbm>>
      %dma_start3A_329 = tpu.memref_squeeze %dma_start3A_328 : memref<1x1x128xi32, #tpu.memory_space<hbm>> -> memref<128xi32, #tpu.memory_space<hbm>>
      %dma_start3A_330 = arith.constant 0 : i32
      %dma_start3A_331 = tpu.memref_slice %arg7[%dma_start3A_323, %dma_start3A_330] : memref<2x128xi32, #tpu.memory_space<vmem>> -> memref<1x128xi32, #tpu.memory_space<vmem>>
      %dma_start3A_332 = tpu.memref_squeeze %dma_start3A_331 : memref<1x128xi32, #tpu.memory_space<vmem>> -> memref<128xi32, #tpu.memory_space<vmem>>
      %dma_start3A_333 = arith.constant 0 : i32
      %dma_start3A_334 = tpu.memref_slice %arg3[%add3A, %add3A_322, %dma_start3A_333] : memref<32x80x128xi32, #tpu.memory_space<hbm>> -> memref<1x1x128xi32, #tpu.memory_space<hbm>>
      %dma_start3A_335 = tpu.memref_squeeze %dma_start3A_334 : memref<1x1x128xi32, #tpu.memory_space<hbm>> -> memref<128xi32, #tpu.memory_space<hbm>>
      tpu.enqueue_dma source(%dma_start3A_335 : memref<128xi32, #tpu.memory_space<hbm>>) target(%dma_start3A_332 : memref<128xi32, #tpu.memory_space<vmem>>) target_semaphore(%arg14 : memref<!tpu.dma_semaphore, #tpu.memory_space<semaphore_mem>>)
      %dma_start3A_336 = arith.constant 1 : i32
      %dma_start3A_337 = arith.constant 0 : i32
      %dma_start3A_338 = tpu.memref_slice %arg8[%dma_start3A_336, %dma_start3A_337] : memref<2x128xi32, #tpu.memory_space<vmem>> -> memref<1x128xi32, #tpu.memory_space<vmem>>
      %dma_start3A_339 = tpu.memref_squeeze %dma_start3A_338 : memref<1x128xi32, #tpu.memory_space<vmem>> -> memref<128xi32, #tpu.memory_space<vmem>>
      %dma_start3A_340 = arith.constant 0 : i32
      %dma_start3A_341 = tpu.memref_slice %arg4[%add3A, %add3A_322, %dma_start3A_340] : memref<32x80x128xi32, #tpu.memory_space<hbm>> -> memref<1x1x128xi32, #tpu.memory_space<hbm>>
      %dma_start3A_342 = tpu.memref_squeeze %dma_start3A_341 : memref<1x1x128xi32, #tpu.memory_space<hbm>> -> memref<128xi32, #tpu.memory_space<hbm>>
      %dma_start3A_343 = arith.constant 0 : i32
      %dma_start3A_344 = tpu.memref_slice %arg8[%dma_start3A_336, %dma_start3A_343] : memref<2x128xi32, #tpu.memory_space<vmem>> -> memref<1x128xi32, #tpu.memory_space<vmem>>
      %dma_start3A_345 = tpu.memref_squeeze %dma_start3A_344 : memref<1x128xi32, #tpu.memory_space<vmem>> -> memref<128xi32, #tpu.memory_space<vmem>>
      %dma_start3A_346 = arith.constant 0 : i32
      %dma_start3A_347 = tpu.memref_slice %arg4[%add3A, %add3A_322, %dma_start3A_346] : memref<32x80x128xi32, #tpu.memory_space<hbm>> -> memref<1x1x128xi32, #tpu.memory_space<hbm>>
      %dma_start3A_348 = tpu.memref_squeeze %dma_start3A_347 : memref<1x1x128xi32, #tpu.memory_space<hbm>> -> memref<128xi32, #tpu.memory_space<hbm>>
      tpu.enqueue_dma source(%dma_start3A_348 : memref<128xi32, #tpu.memory_space<hbm>>) target(%dma_start3A_345 : memref<128xi32, #tpu.memory_space<vmem>>) target_semaphore(%arg14 : memref<!tpu.dma_semaphore, #tpu.memory_space<semaphore_mem>>)
      %dma_wait3A_349 = arith.constant 0 : i32
      %dma_wait3A_350 = arith.constant 0 : i32
      %dma_wait3A_351 = arith.constant 0 : i32
      %dma_wait3A_352 = tpu.memref_slice %arg7[%dma_wait3A_350, %dma_wait3A_351] : memref<2x128xi32, #tpu.memory_space<vmem>> -> memref<1x128xi32, #tpu.memory_space<vmem>>
      %dma_wait3A_353 = tpu.memref_squeeze %dma_wait3A_352 : memref<1x128xi32, #tpu.memory_space<vmem>> -> memref<128xi32, #tpu.memory_space<vmem>>
      %dma_wait3A_354 = arith.constant 0 : i32
      %dma_wait3A_355 = tpu.memref_slice %arg3[%add3A, %dma_wait3A_349, %dma_wait3A_354] : memref<32x80x128xi32, #tpu.memory_space<hbm>> -> memref<1x1x128xi32, #tpu.memory_space<hbm>>
      %dma_wait3A_356 = tpu.memref_squeeze %dma_wait3A_355 : memref<1x1x128xi32, #tpu.memory_space<hbm>> -> memref<128xi32, #tpu.memory_space<hbm>>
      %dma_wait3A_357 = arith.constant 0 : i32
      %dma_wait3A_358 = tpu.memref_slice %arg7[%dma_wait3A_350, %dma_wait3A_357] : memref<2x128xi32, #tpu.memory_space<vmem>> -> memref<1x128xi32, #tpu.memory_space<vmem>>
      %dma_wait3A_359 = tpu.memref_squeeze %dma_wait3A_358 : memref<1x128xi32, #tpu.memory_space<vmem>> -> memref<128xi32, #tpu.memory_space<vmem>>
      %dma_wait3A_360 = arith.constant 0 : i32
      %dma_wait3A_361 = tpu.memref_slice %arg3[%add3A, %dma_wait3A_349, %dma_wait3A_360] : memref<32x80x128xi32, #tpu.memory_space<hbm>> -> memref<1x1x128xi32, #tpu.memory_space<hbm>>
      %dma_wait3A_362 = tpu.memref_squeeze %dma_wait3A_361 : memref<1x1x128xi32, #tpu.memory_space<hbm>> -> memref<128xi32, #tpu.memory_space<hbm>>
      tpu.wait_dma2 semaphore(%arg13 : memref<!tpu.dma_semaphore, #tpu.memory_space<semaphore_mem>>) src(%dma_wait3A_362 : memref<128xi32, #tpu.memory_space<hbm>>) dst(%dma_wait3A_359 : memref<128xi32, #tpu.memory_space<vmem>>)
      %dma_wait3A_363 = arith.constant 0 : i32
      %dma_wait3A_364 = arith.constant 0 : i32
      %dma_wait3A_365 = arith.constant 0 : i32
      %dma_wait3A_366 = tpu.memref_slice %arg8[%dma_wait3A_364, %dma_wait3A_365] : memref<2x128xi32, #tpu.memory_space<vmem>> -> memref<1x128xi32, #tpu.memory_space<vmem>>
      %dma_wait3A_367 = tpu.memref_squeeze %dma_wait3A_366 : memref<1x128xi32, #tpu.memory_space<vmem>> -> memref<128xi32, #tpu.memory_space<vmem>>
      %dma_wait3A_368 = arith.constant 0 : i32
      %dma_wait3A_369 = tpu.memref_slice %arg4[%add3A, %dma_wait3A_363, %dma_wait3A_368] : memref<32x80x128xi32, #tpu.memory_space<hbm>> -> memref<1x1x128xi32, #tpu.memory_space<hbm>>
      %dma_wait3A_370 = tpu.memref_squeeze %dma_wait3A_369 : memref<1x1x128xi32, #tpu.memory_space<hbm>> -> memref<128xi32, #tpu.memory_space<hbm>>
      %dma_wait3A_371 = arith.constant 0 : i32
      %dma_wait3A_372 = tpu.memref_slice %arg8[%dma_wait3A_364, %dma_wait3A_371] : memref<2x128xi32, #tpu.memory_space<vmem>> -> memref<1x128xi32, #tpu.memory_space<vmem>>
      %dma_wait3A_373 = tpu.memref_squeeze %dma_wait3A_372 : memref<1x128xi32, #tpu.memory_space<vmem>> -> memref<128xi32, #tpu.memory_space<vmem>>
      %dma_wait3A_374 = arith.constant 0 : i32
      %dma_wait3A_375 = tpu.memref_slice %arg4[%add3A, %dma_wait3A_363, %dma_wait3A_374] : memref<32x80x128xi32, #tpu.memory_space<hbm>> -> memref<1x1x128xi32, #tpu.memory_space<hbm>>
      %dma_wait3A_376 = tpu.memref_squeeze %dma_wait3A_375 : memref<1x1x128xi32, #tpu.memory_space<hbm>> -> memref<128xi32, #tpu.memory_space<hbm>>
      tpu.wait_dma2 semaphore(%arg13 : memref<!tpu.dma_semaphore, #tpu.memory_space<semaphore_mem>>) src(%dma_wait3A_376 : memref<128xi32, #tpu.memory_space<hbm>>) dst(%dma_wait3A_373 : memref<128xi32, #tpu.memory_space<vmem>>)
      %dma_start3A_377 = arith.constant 0 : i32
      %dma_start3A_378 = arith.constant 0 : i32
      %dma_start3A_379 = tpu.memref_slice %arg7[%dma_start3A_377, %dma_start3A_378] : memref<2x128xi32, #tpu.memory_space<vmem>> -> memref<1x128xi32, #tpu.memory_space<vmem>>
      %dma_start3A_380 = tpu.memref_squeeze %dma_start3A_379 : memref<1x128xi32, #tpu.memory_space<vmem>> -> memref<128xi32, #tpu.memory_space<vmem>>
      %dma_start3A_381 = arith.constant 0 : i32
      %dma_start3A_382 = arith.constant 0 : i32
      %dma_start3A_383 = tpu.memref_slice %arg2[%dma_start3A_381, %dma_start3A_382] : memref<10000x128xf32, #tpu.memory_space<hbm>> -> memref<10000x128xf32, #tpu.memory_space<hbm>>
      tpu.enqueue_indirect_dma source(%dma_start3A_383 : memref<10000x128xf32, #tpu.memory_space<hbm>>) target(%arg9 : memref<128x128xf32, #tpu.memory_space<vmem>>) offsets(%dma_start3A_380 : memref<128xi32, #tpu.memory_space<vmem>>) semaphore(%arg11 : memref<!tpu.dma_semaphore, #tpu.memory_space<semaphore_mem>>)
    }
    %scan3A_179 = arith.constant 39 : i32
    %dma_wait3A_180 = arith.constant 0 : i32
    %dma_wait3A_181 = arith.constant 1 : i32
    %dma_wait3A_182 = arith.constant 0 : i32
    %dma_wait3A_183 = tpu.memref_slice %arg7[%dma_wait3A_181, %dma_wait3A_182] : memref<2x128xi32, #tpu.memory_space<vmem>> -> memref<1x128xi32, #tpu.memory_space<vmem>>
    %dma_wait3A_184 = tpu.memref_squeeze %dma_wait3A_183 : memref<1x128xi32, #tpu.memory_space<vmem>> -> memref<128xi32, #tpu.memory_space<vmem>>
    %dma_wait3A_185 = arith.constant 0 : i32
    %dma_wait3A_186 = tpu.memref_slice %arg3[%add3A, %dma_wait3A_180, %dma_wait3A_185] : memref<32x80x128xi32, #tpu.memory_space<hbm>> -> memref<1x1x128xi32, #tpu.memory_space<hbm>>
    %dma_wait3A_187 = tpu.memref_squeeze %dma_wait3A_186 : memref<1x1x128xi32, #tpu.memory_space<hbm>> -> memref<128xi32, #tpu.memory_space<hbm>>
    %dma_wait3A_188 = arith.constant 0 : i32
    %dma_wait3A_189 = tpu.memref_slice %arg7[%dma_wait3A_181, %dma_wait3A_188] : memref<2x128xi32, #tpu.memory_space<vmem>> -> memref<1x128xi32, #tpu.memory_space<vmem>>
    %dma_wait3A_190 = tpu.memref_squeeze %dma_wait3A_189 : memref<1x128xi32, #tpu.memory_space<vmem>> -> memref<128xi32, #tpu.memory_space<vmem>>
    %dma_wait3A_191 = arith.constant 0 : i32
    %dma_wait3A_192 = tpu.memref_slice %arg3[%add3A, %dma_wait3A_180, %dma_wait3A_191] : memref<32x80x128xi32, #tpu.memory_space<hbm>> -> memref<1x1x128xi32, #tpu.memory_space<hbm>>
    %dma_wait3A_193 = tpu.memref_squeeze %dma_wait3A_192 : memref<1x1x128xi32, #tpu.memory_space<hbm>> -> memref<128xi32, #tpu.memory_space<hbm>>
    tpu.wait_dma2 semaphore(%arg14 : memref<!tpu.dma_semaphore, #tpu.memory_space<semaphore_mem>>) src(%dma_wait3A_193 : memref<128xi32, #tpu.memory_space<hbm>>) dst(%dma_wait3A_190 : memref<128xi32, #tpu.memory_space<vmem>>)
    %dma_wait3A_194 = arith.constant 0 : i32
    %dma_wait3A_195 = arith.constant 1 : i32
    %dma_wait3A_196 = arith.constant 0 : i32
    %dma_wait3A_197 = tpu.memref_slice %arg8[%dma_wait3A_195, %dma_wait3A_196] : memref<2x128xi32, #tpu.memory_space<vmem>> -> memref<1x128xi32, #tpu.memory_space<vmem>>
    %dma_wait3A_198 = tpu.memref_squeeze %dma_wait3A_197 : memref<1x128xi32, #tpu.memory_space<vmem>> -> memref<128xi32, #tpu.memory_space<vmem>>
    %dma_wait3A_199 = arith.constant 0 : i32
    %dma_wait3A_200 = tpu.memref_slice %arg4[%add3A, %dma_wait3A_194, %dma_wait3A_199] : memref<32x80x128xi32, #tpu.memory_space<hbm>> -> memref<1x1x128xi32, #tpu.memory_space<hbm>>
    %dma_wait3A_201 = tpu.memref_squeeze %dma_wait3A_200 : memref<1x1x128xi32, #tpu.memory_space<hbm>> -> memref<128xi32, #tpu.memory_space<hbm>>
    %dma_wait3A_202 = arith.constant 0 : i32
    %dma_wait3A_203 = tpu.memref_slice %arg8[%dma_wait3A_195, %dma_wait3A_202] : memref<2x128xi32, #tpu.memory_space<vmem>> -> memref<1x128xi32, #tpu.memory_space<vmem>>
    %dma_wait3A_204 = tpu.memref_squeeze %dma_wait3A_203 : memref<1x128xi32, #tpu.memory_space<vmem>> -> memref<128xi32, #tpu.memory_space<vmem>>
    %dma_wait3A_205 = arith.constant 0 : i32
    %dma_wait3A_206 = tpu.memref_slice %arg4[%add3A, %dma_wait3A_194, %dma_wait3A_205] : memref<32x80x128xi32, #tpu.memory_space<hbm>> -> memref<1x1x128xi32, #tpu.memory_space<hbm>>
    %dma_wait3A_207 = tpu.memref_squeeze %dma_wait3A_206 : memref<1x1x128xi32, #tpu.memory_space<hbm>> -> memref<128xi32, #tpu.memory_space<hbm>>
    tpu.wait_dma2 semaphore(%arg14 : memref<!tpu.dma_semaphore, #tpu.memory_space<semaphore_mem>>) src(%dma_wait3A_207 : memref<128xi32, #tpu.memory_space<hbm>>) dst(%dma_wait3A_204 : memref<128xi32, #tpu.memory_space<vmem>>)
    %dma_start3A_208 = arith.constant 1 : i32
    %dma_start3A_209 = arith.constant 0 : i32
    %dma_start3A_210 = tpu.memref_slice %arg7[%dma_start3A_208, %dma_start3A_209] : memref<2x128xi32, #tpu.memory_space<vmem>> -> memref<1x128xi32, #tpu.memory_space<vmem>>
    %dma_start3A_211 = tpu.memref_squeeze %dma_start3A_210 : memref<1x128xi32, #tpu.memory_space<vmem>> -> memref<128xi32, #tpu.memory_space<vmem>>
    %dma_start3A_212 = arith.constant 0 : i32
    %dma_start3A_213 = arith.constant 0 : i32
    %dma_start3A_214 = tpu.memref_slice %arg2[%dma_start3A_212, %dma_start3A_213] : memref<10000x128xf32, #tpu.memory_space<hbm>> -> memref<10000x128xf32, #tpu.memory_space<hbm>>
    tpu.enqueue_indirect_dma source(%dma_start3A_214 : memref<10000x128xf32, #tpu.memory_space<hbm>>) target(%arg10 : memref<128x128xf32, #tpu.memory_space<vmem>>) offsets(%dma_start3A_211 : memref<128xi32, #tpu.memory_space<vmem>>) semaphore(%arg12 : memref<!tpu.dma_semaphore, #tpu.memory_space<semaphore_mem>>)
    %dma_wait3A_215 = arith.constant 0 : i32
    %dma_wait3A_216 = arith.constant 0 : i32
    %dma_wait3A_217 = tpu.memref_slice %arg7[%dma_wait3A_215, %dma_wait3A_216] : memref<2x128xi32, #tpu.memory_space<vmem>> -> memref<1x128xi32, #tpu.memory_space<vmem>>
    %dma_wait3A_218 = tpu.memref_squeeze %dma_wait3A_217 : memref<1x128xi32, #tpu.memory_space<vmem>> -> memref<128xi32, #tpu.memory_space<vmem>>
    %dma_wait3A_219 = arith.constant 0 : i32
    %dma_wait3A_220 = arith.constant 0 : i32
    %dma_wait3A_221 = tpu.memref_slice %arg2[%dma_wait3A_219, %dma_wait3A_220] : memref<10000x128xf32, #tpu.memory_space<hbm>> -> memref<10000x128xf32, #tpu.memory_space<hbm>>
    tpu.wait_indirect_dma semaphore(%arg11 : memref<!tpu.dma_semaphore, #tpu.memory_space<semaphore_mem>>) src(%dma_wait3A_221 : memref<10000x128xf32, #tpu.memory_space<hbm>>) dst(%arg9 : memref<128x128xf32, #tpu.memory_space<vmem>>)
    %run_scoped3A = arith.constant 0 : i32
    "tpu.region"() ({
      %run_scoped3A_235 = tpu.sem_alloc : memref<!tpu.dma_semaphore, #tpu.memory_space<semaphore_mem>>
      %dma_start3A_236 = arith.constant 0 : i32
      %dma_start3A_237 = tpu.memref_slice %arg8[%run_scoped3A, %dma_start3A_236] : memref<2x128xi32, #tpu.memory_space<vmem>> -> memref<1x128xi32, #tpu.memory_space<vmem>>
      %dma_start3A_238 = tpu.memref_squeeze %dma_start3A_237 : memref<1x128xi32, #tpu.memory_space<vmem>> -> memref<128xi32, #tpu.memory_space<vmem>>
      %dma_start3A_239 = arith.constant 0 : i32
      %dma_start3A_240 = arith.constant 0 : i32
      %dma_start3A_241 = tpu.memref_slice %arg6[%dma_start3A_239, %dma_start3A_240] : memref<10240x128xf32, #tpu.memory_space<vmem_shared>> -> memref<10240x128xf32, #tpu.memory_space<vmem_shared>>
      tpu.enqueue_indirect_dma source(%arg9 : memref<128x128xf32, #tpu.memory_space<vmem>>) target(%dma_start3A_241 : memref<10240x128xf32, #tpu.memory_space<vmem_shared>>) offsets(%dma_start3A_238 : memref<128xi32, #tpu.memory_space<vmem>>) semaphore(%run_scoped3A_235 : memref<!tpu.dma_semaphore, #tpu.memory_space<semaphore_mem>>) {add = true}
      %dma_wait3A_242 = arith.constant 0 : i32
      %dma_wait3A_243 = tpu.memref_slice %arg8[%run_scoped3A, %dma_wait3A_242] : memref<2x128xi32, #tpu.memory_space<vmem>> -> memref<1x128xi32, #tpu.memory_space<vmem>>
      %dma_wait3A_244 = tpu.memref_squeeze %dma_wait3A_243 : memref<1x128xi32, #tpu.memory_space<vmem>> -> memref<128xi32, #tpu.memory_space<vmem>>
      %dma_wait3A_245 = arith.constant 0 : i32
      %dma_wait3A_246 = arith.constant 0 : i32
      %dma_wait3A_247 = tpu.memref_slice %arg6[%dma_wait3A_245, %dma_wait3A_246] : memref<10240x128xf32, #tpu.memory_space<vmem_shared>> -> memref<10240x128xf32, #tpu.memory_space<vmem_shared>>
      tpu.wait_indirect_dma semaphore(%run_scoped3A_235 : memref<!tpu.dma_semaphore, #tpu.memory_space<semaphore_mem>>) src(%arg9 : memref<128x128xf32, #tpu.memory_space<vmem>>) dst(%dma_wait3A_247 : memref<10240x128xf32, #tpu.memory_space<vmem_shared>>)
      tpu.yield
    }) : () -> ()
    %dma_wait3A_222 = arith.constant 1 : i32
    %dma_wait3A_223 = arith.constant 0 : i32
    %dma_wait3A_224 = tpu.memref_slice %arg7[%dma_wait3A_222, %dma_wait3A_223] : memref<2x128xi32, #tpu.memory_space<vmem>> -> memref<1x128xi32, #tpu.memory_space<vmem>>
    %dma_wait3A_225 = tpu.memref_squeeze %dma_wait3A_224 : memref<1x128xi32, #tpu.memory_space<vmem>> -> memref<128xi32, #tpu.memory_space<vmem>>
    %dma_wait3A_226 = arith.constant 0 : i32
    %dma_wait3A_227 = arith.constant 0 : i32
    %dma_wait3A_228 = tpu.memref_slice %arg2[%dma_wait3A_226, %dma_wait3A_227] : memref<10000x128xf32, #tpu.memory_space<hbm>> -> memref<10000x128xf32, #tpu.memory_space<hbm>>
    tpu.wait_indirect_dma semaphore(%arg12 : memref<!tpu.dma_semaphore, #tpu.memory_space<semaphore_mem>>) src(%dma_wait3A_228 : memref<10000x128xf32, #tpu.memory_space<hbm>>) dst(%arg10 : memref<128x128xf32, #tpu.memory_space<vmem>>)
    %run_scoped3A_229 = arith.constant 1 : i32
    "tpu.region"() ({
      %run_scoped3A_235 = tpu.sem_alloc : memref<!tpu.dma_semaphore, #tpu.memory_space<semaphore_mem>>
      %dma_start3A_236 = arith.constant 0 : i32
      %dma_start3A_237 = tpu.memref_slice %arg8[%run_scoped3A_229, %dma_start3A_236] : memref<2x128xi32, #tpu.memory_space<vmem>> -> memref<1x128xi32, #tpu.memory_space<vmem>>
      %dma_start3A_238 = tpu.memref_squeeze %dma_start3A_237 : memref<1x128xi32, #tpu.memory_space<vmem>> -> memref<128xi32, #tpu.memory_space<vmem>>
      %dma_start3A_239 = arith.constant 0 : i32
      %dma_start3A_240 = arith.constant 0 : i32
      %dma_start3A_241 = tpu.memref_slice %arg6[%dma_start3A_239, %dma_start3A_240] : memref<10240x128xf32, #tpu.memory_space<vmem_shared>> -> memref<10240x128xf32, #tpu.memory_space<vmem_shared>>
      tpu.enqueue_indirect_dma source(%arg10 : memref<128x128xf32, #tpu.memory_space<vmem>>) target(%dma_start3A_241 : memref<10240x128xf32, #tpu.memory_space<vmem_shared>>) offsets(%dma_start3A_238 : memref<128xi32, #tpu.memory_space<vmem>>) semaphore(%run_scoped3A_235 : memref<!tpu.dma_semaphore, #tpu.memory_space<semaphore_mem>>) {add = true}
      %dma_wait3A_242 = arith.constant 0 : i32
      %dma_wait3A_243 = tpu.memref_slice %arg8[%run_scoped3A_229, %dma_wait3A_242] : memref<2x128xi32, #tpu.memory_space<vmem>> -> memref<1x128xi32, #tpu.memory_space<vmem>>
      %dma_wait3A_244 = tpu.memref_squeeze %dma_wait3A_243 : memref<1x128xi32, #tpu.memory_space<vmem>> -> memref<128xi32, #tpu.memory_space<vmem>>
      %dma_wait3A_245 = arith.constant 0 : i32
      %dma_wait3A_246 = arith.constant 0 : i32
      %dma_wait3A_247 = tpu.memref_slice %arg6[%dma_wait3A_245, %dma_wait3A_246] : memref<10240x128xf32, #tpu.memory_space<vmem_shared>> -> memref<10240x128xf32, #tpu.memory_space<vmem_shared>>
      tpu.wait_indirect_dma semaphore(%run_scoped3A_235 : memref<!tpu.dma_semaphore, #tpu.memory_space<semaphore_mem>>) src(%arg10 : memref<128x128xf32, #tpu.memory_space<vmem>>) dst(%dma_wait3A_247 : memref<10240x128xf32, #tpu.memory_space<vmem_shared>>)
      tpu.yield
    }) : () -> ()
    %barrier3A_230 = arith.constant 0 : index
    tpu.barrier barrier_id(%barrier3A_230)
    %mul3A_231 = arith.constant 640 : i32
    %mul3A_232 = arith.muli %arg1, %mul3A_231 : i32
    %mul3A_233 = arith.constant 640 : i32
    %mul3A_234 = arith.muli %arg1, %mul3A_233 : i32
    "tpu.region"() ({
      %run_scoped3A_235 = tpu.sem_alloc : memref<!tpu.dma_semaphore, #tpu.memory_space<semaphore_mem>>
      %dma_start3A_236 = arith.constant 0 : i32
      %dma_start3A_237 = tpu.memref_slice %arg5[%arg0, %mul3A_234, %dma_start3A_236] : memref<2x10240x128xf32, #tpu.memory_space<hbm>> -> memref<1x640x128xf32, #tpu.memory_space<hbm>>
      %dma_start3A_238 = tpu.memref_squeeze %dma_start3A_237 : memref<1x640x128xf32, #tpu.memory_space<hbm>> -> memref<640x128xf32, #tpu.memory_space<hbm>>
      %dma_start3A_239 = arith.constant 0 : i32
      %dma_start3A_240 = tpu.memref_slice %arg6[%mul3A_232, %dma_start3A_239] : memref<10240x128xf32, #tpu.memory_space<vmem_shared>> -> memref<640x128xf32, #tpu.memory_space<vmem_shared>>
      tpu.enqueue_dma source(%dma_start3A_240 : memref<640x128xf32, #tpu.memory_space<vmem_shared>>) target(%dma_start3A_238 : memref<640x128xf32, #tpu.memory_space<hbm>>) target_semaphore(%run_scoped3A_235 : memref<!tpu.dma_semaphore, #tpu.memory_space<semaphore_mem>>)
      %dma_wait3A_241 = arith.constant 0 : i32
      %dma_wait3A_242 = tpu.memref_slice %arg5[%arg0, %mul3A_234, %dma_wait3A_241] : memref<2x10240x128xf32, #tpu.memory_space<hbm>> -> memref<1x640x128xf32, #tpu.memory_space<hbm>>
      %dma_wait3A_243 = tpu.memref_squeeze %dma_wait3A_242 : memref<1x640x128xf32, #tpu.memory_space<hbm>> -> memref<640x128xf32, #tpu.memory_space<hbm>>
      %dma_wait3A_244 = arith.constant 0 : i32
      %dma_wait3A_245 = tpu.memref_slice %arg6[%mul3A_232, %dma_wait3A_244] : memref<10240x128xf32, #tpu.memory_space<vmem_shared>> -> memref<640x128xf32, #tpu.memory_space<vmem_shared>>
      tpu.wait_dma2 semaphore(%run_scoped3A_235 : memref<!tpu.dma_semaphore, #tpu.memory_space<semaphore_mem>>) src(%dma_wait3A_245 : memref<640x128xf32, #tpu.memory_space<vmem_shared>>) dst(%dma_wait3A_243 : memref<640x128xf32, #tpu.memory_space<hbm>>)
      tpu.yield
    }) : () -> ()
    return
  }
}

#map = affine_map<(d0, d1) -> (0, 0)>
#map1 = affine_map<(d0, d1) -> (0, 0, 0)>
module attributes {stable_mosaic.version = 14 : i64} {
  func.func @seg_sum(%arg0: i32, %arg1: i32, %arg2: memref<10000x128xf32, #tpu.memory_space<hbm>>, %arg3: memref<32x80x128xi32, #tpu.memory_space<hbm>>, %arg4: memref<32x80x128xi32, #tpu.memory_space<hbm>>, %arg5: memref<2x10240x128xf32, #tpu.memory_space<hbm>>, %arg6: memref<10240x128xf32, #tpu.memory_space<vmem_shared>>, %arg7: memref<2x128xi32, #tpu.memory_space<vmem>>, %arg8: memref<2x128xi32, #tpu.memory_space<vmem>>, %arg9: memref<128x128xf32, #tpu.memory_space<vmem>>, %arg10: memref<128x128xf32, #tpu.memory_space<vmem>>, %arg11: memref<!tpu.dma_semaphore, #tpu.memory_space<semaphore_mem>>, %arg12: memref<!tpu.dma_semaphore, #tpu.memory_space<semaphore_mem>>, %arg13: memref<!tpu.dma_semaphore, #tpu.memory_space<semaphore_mem>>, %arg14: memref<!tpu.dma_semaphore, #tpu.memory_space<semaphore_mem>>, %arg15: memref<!tpu.dma_semaphore, #tpu.memory_space<semaphore_mem>>) attributes {dimension_semantics = [#tpu.dimension_semantics<core_parallel>, #tpu.dimension_semantics<subcore_parallel>], iteration_bounds = array<i64: 2, 16>, scalar_prefetch = 0 : i64, scratch_operands = 10 : i64, tpu.core_type = #tpu.core_type<sc_vector_subcore>, window_params = [{transform_indices = #map}, {transform_indices = #map1}, {transform_indices = #map1}, {transform_indices = #map1}]} {
    %mul3A = arith.constant 16 : i32
    %mul3A_0 = arith.muli %arg0, %mul3A : i32
    %add3A = arith.addi %mul3A_0, %arg1 : i32
    %dma_start3A = arith.constant 0 : i32
    %dma_start3A_1 = arith.constant 0 : i32
    %dma_start3A_2 = arith.constant 0 : i32
    %dma_start3A_3 = tpu.memref_slice %arg7[%dma_start3A_1, %dma_start3A_2] : memref<2x128xi32, #tpu.memory_space<vmem>> -> memref<1x128xi32, #tpu.memory_space<vmem>>
    %dma_start3A_4 = tpu.memref_squeeze %dma_start3A_3 : memref<1x128xi32, #tpu.memory_space<vmem>> -> memref<128xi32, #tpu.memory_space<vmem>>
    %dma_start3A_5 = arith.constant 0 : i32
    %dma_start3A_6 = tpu.memref_slice %arg3[%add3A, %dma_start3A, %dma_start3A_5] : memref<32x80x128xi32, #tpu.memory_space<hbm>> -> memref<1x1x128xi32, #tpu.memory_space<hbm>>
    %dma_start3A_7 = tpu.memref_squeeze %dma_start3A_6 : memref<1x1x128xi32, #tpu.memory_space<hbm>> -> memref<128xi32, #tpu.memory_space<hbm>>
    %dma_start3A_8 = arith.constant 0 : i32
    %dma_start3A_9 = tpu.memref_slice %arg7[%dma_start3A_1, %dma_start3A_8] : memref<2x128xi32, #tpu.memory_space<vmem>> -> memref<1x128xi32, #tpu.memory_space<vmem>>
    %dma_start3A_10 = tpu.memref_squeeze %dma_start3A_9 : memref<1x128xi32, #tpu.memory_space<vmem>> -> memref<128xi32, #tpu.memory_space<vmem>>
    %dma_start3A_11 = arith.constant 0 : i32
    %dma_start3A_12 = tpu.memref_slice %arg3[%add3A, %dma_start3A, %dma_start3A_11] : memref<32x80x128xi32, #tpu.memory_space<hbm>> -> memref<1x1x128xi32, #tpu.memory_space<hbm>>
    %dma_start3A_13 = tpu.memref_squeeze %dma_start3A_12 : memref<1x1x128xi32, #tpu.memory_space<hbm>> -> memref<128xi32, #tpu.memory_space<hbm>>
    tpu.enqueue_dma source(%dma_start3A_13 : memref<128xi32, #tpu.memory_space<hbm>>) target(%dma_start3A_10 : memref<128xi32, #tpu.memory_space<vmem>>) target_semaphore(%arg13 : memref<!tpu.dma_semaphore, #tpu.memory_space<semaphore_mem>>)
    %dma_start3A_14 = arith.constant 0 : i32
    %dma_start3A_15 = arith.constant 0 : i32
    %dma_start3A_16 = arith.constant 0 : i32
    %dma_start3A_17 = tpu.memref_slice %arg8[%dma_start3A_15, %dma_start3A_16] : memref<2x128xi32, #tpu.memory_space<vmem>> -> memref<1x128xi32, #tpu.memory_space<vmem>>
    %dma_start3A_18 = tpu.memref_squeeze %dma_start3A_17 : memref<1x128xi32, #tpu.memory_space<vmem>> -> memref<128xi32, #tpu.memory_space<vmem>>
    %dma_start3A_19 = arith.constant 0 : i32
    %dma_start3A_20 = tpu.memref_slice %arg4[%add3A, %dma_start3A_14, %dma_start3A_19] : memref<32x80x128xi32, #tpu.memory_space<hbm>> -> memref<1x1x128xi32, #tpu.memory_space<hbm>>
    %dma_start3A_21 = tpu.memref_squeeze %dma_start3A_20 : memref<1x1x128xi32, #tpu.memory_space<hbm>> -> memref<128xi32, #tpu.memory_space<hbm>>
    %dma_start3A_22 = arith.constant 0 : i32
    %dma_start3A_23 = tpu.memref_slice %arg8[%dma_start3A_15, %dma_start3A_22] : memref<2x128xi32, #tpu.memory_space<vmem>> -> memref<1x128xi32, #tpu.memory_space<vmem>>
    %dma_start3A_24 = tpu.memref_squeeze %dma_start3A_23 : memref<1x128xi32, #tpu.memory_space<vmem>> -> memref<128xi32, #tpu.memory_space<vmem>>
    %dma_start3A_25 = arith.constant 0 : i32
    %dma_start3A_26 = tpu.memref_slice %arg4[%add3A, %dma_start3A_14, %dma_start3A_25] : memref<32x80x128xi32, #tpu.memory_space<hbm>> -> memref<1x1x128xi32, #tpu.memory_space<hbm>>
    %dma_start3A_27 = tpu.memref_squeeze %dma_start3A_26 : memref<1x1x128xi32, #tpu.memory_space<hbm>> -> memref<128xi32, #tpu.memory_space<hbm>>
    tpu.enqueue_dma source(%dma_start3A_27 : memref<128xi32, #tpu.memory_space<hbm>>) target(%dma_start3A_24 : memref<128xi32, #tpu.memory_space<vmem>>) target_semaphore(%arg13 : memref<!tpu.dma_semaphore, #tpu.memory_space<semaphore_mem>>)
    %dma_start3A_28 = arith.constant 1 : i32
    %dma_start3A_29 = arith.constant 1 : i32
    %dma_start3A_30 = arith.constant 0 : i32
    %dma_start3A_31 = tpu.memref_slice %arg7[%dma_start3A_29, %dma_start3A_30] : memref<2x128xi32, #tpu.memory_space<vmem>> -> memref<1x128xi32, #tpu.memory_space<vmem>>
    %dma_start3A_32 = tpu.memref_squeeze %dma_start3A_31 : memref<1x128xi32, #tpu.memory_space<vmem>> -> memref<128xi32, #tpu.memory_space<vmem>>
    %dma_start3A_33 = arith.constant 0 : i32
    %dma_start3A_34 = tpu.memref_slice %arg3[%add3A, %dma_start3A_28, %dma_start3A_33] : memref<32x80x128xi32, #tpu.memory_space<hbm>> -> memref<1x1x128xi32, #tpu.memory_space<hbm>>
    %dma_start3A_35 = tpu.memref_squeeze %dma_start3A_34 : memref<1x1x128xi32, #tpu.memory_space<hbm>> -> memref<128xi32, #tpu.memory_space<hbm>>
    %dma_start3A_36 = arith.constant 0 : i32
    %dma_start3A_37 = tpu.memref_slice %arg7[%dma_start3A_29, %dma_start3A_36] : memref<2x128xi32, #tpu.memory_space<vmem>> -> memref<1x128xi32, #tpu.memory_space<vmem>>
    %dma_start3A_38 = tpu.memref_squeeze %dma_start3A_37 : memref<1x128xi32, #tpu.memory_space<vmem>> -> memref<128xi32, #tpu.memory_space<vmem>>
    %dma_start3A_39 = arith.constant 0 : i32
    %dma_start3A_40 = tpu.memref_slice %arg3[%add3A, %dma_start3A_28, %dma_start3A_39] : memref<32x80x128xi32, #tpu.memory_space<hbm>> -> memref<1x1x128xi32, #tpu.memory_space<hbm>>
    %dma_start3A_41 = tpu.memref_squeeze %dma_start3A_40 : memref<1x1x128xi32, #tpu.memory_space<hbm>> -> memref<128xi32, #tpu.memory_space<hbm>>
    tpu.enqueue_dma source(%dma_start3A_41 : memref<128xi32, #tpu.memory_space<hbm>>) target(%dma_start3A_38 : memref<128xi32, #tpu.memory_space<vmem>>) target_semaphore(%arg14 : memref<!tpu.dma_semaphore, #tpu.memory_space<semaphore_mem>>)
    %dma_start3A_42 = arith.constant 1 : i32
    %dma_start3A_43 = arith.constant 1 : i32
    %dma_start3A_44 = arith.constant 0 : i32
    %dma_start3A_45 = tpu.memref_slice %arg8[%dma_start3A_43, %dma_start3A_44] : memref<2x128xi32, #tpu.memory_space<vmem>> -> memref<1x128xi32, #tpu.memory_space<vmem>>
    %dma_start3A_46 = tpu.memref_squeeze %dma_start3A_45 : memref<1x128xi32, #tpu.memory_space<vmem>> -> memref<128xi32, #tpu.memory_space<vmem>>
    %dma_start3A_47 = arith.constant 0 : i32
    %dma_start3A_48 = tpu.memref_slice %arg4[%add3A, %dma_start3A_42, %dma_start3A_47] : memref<32x80x128xi32, #tpu.memory_space<hbm>> -> memref<1x1x128xi32, #tpu.memory_space<hbm>>
    %dma_start3A_49 = tpu.memref_squeeze %dma_start3A_48 : memref<1x1x128xi32, #tpu.memory_space<hbm>> -> memref<128xi32, #tpu.memory_space<hbm>>
    %dma_start3A_50 = arith.constant 0 : i32
    %dma_start3A_51 = tpu.memref_slice %arg8[%dma_start3A_43, %dma_start3A_50] : memref<2x128xi32, #tpu.memory_space<vmem>> -> memref<1x128xi32, #tpu.memory_space<vmem>>
    %dma_start3A_52 = tpu.memref_squeeze %dma_start3A_51 : memref<1x128xi32, #tpu.memory_space<vmem>> -> memref<128xi32, #tpu.memory_space<vmem>>
    %dma_start3A_53 = arith.constant 0 : i32
    %dma_start3A_54 = tpu.memref_slice %arg4[%add3A, %dma_start3A_42, %dma_start3A_53] : memref<32x80x128xi32, #tpu.memory_space<hbm>> -> memref<1x1x128xi32, #tpu.memory_space<hbm>>
    %dma_start3A_55 = tpu.memref_squeeze %dma_start3A_54 : memref<1x1x128xi32, #tpu.memory_space<hbm>> -> memref<128xi32, #tpu.memory_space<hbm>>
    tpu.enqueue_dma source(%dma_start3A_55 : memref<128xi32, #tpu.memory_space<hbm>>) target(%dma_start3A_52 : memref<128xi32, #tpu.memory_space<vmem>>) target_semaphore(%arg14 : memref<!tpu.dma_semaphore, #tpu.memory_space<semaphore_mem>>)
    %broadcast_in_dim3A = arith.constant 0.000000e+00 : f32
    %broadcast_in_dim3A_56 = vector.broadcast %broadcast_in_dim3A : f32 to vector<16xf32>
    %scan3A = arith.constant 0 : i32
    %scan3A_57 = arith.constant 128 : i32
    %scan3A_58 = arith.addi %scan3A, %scan3A_57 : i32
    %scan3A_59 = arith.constant 1 : i32
    scf.for %scan3A_235 = %scan3A to %scan3A_58 step %scan3A_59  : i32 {
      %mul3A_236 = arith.constant 1 : i32
      %mul3A_237 = arith.muli %scan3A_235, %mul3A_236 : i32
      %add3A_238 = arith.constant 0 : i32
      %add3A_239 = arith.addi %add3A_238, %mul3A_237 : i32
      %swap3A = arith.index_cast %add3A_239 : i32 to index
      %swap3A_240 = arith.constant 0 : index
      %swap3A_241 = tpu.vector_load %arg10[%swap3A, %swap3A_240] {strides = array<i32>} : memref<128x128xf32, #tpu.memory_space<vmem>>, vector<1x16xf32>,
      %swap3A_242 = vector.shape_cast %swap3A_241 : vector<1x16xf32> to vector<16xf32>
      %swap3A_243 = vector.shape_cast %broadcast_in_dim3A_56 : vector<16xf32> to vector<1x16xf32>
      tpu.vector_store %arg10[%swap3A, %swap3A_240], %swap3A_243 {strides = array<i32>} : memref<128x128xf32, #tpu.memory_space<vmem>>, vector<1x16xf32>,
      %swap3A_244 = arith.index_cast %add3A_239 : i32 to index
      %swap3A_245 = arith.constant 16 : index
      %swap3A_246 = tpu.vector_load %arg10[%swap3A_244, %swap3A_245] {strides = array<i32>} : memref<128x128xf32, #tpu.memory_space<vmem>>, vector<1x16xf32>,
      %swap3A_247 = vector.shape_cast %swap3A_246 : vector<1x16xf32> to vector<16xf32>
      %swap3A_248 = vector.shape_cast %broadcast_in_dim3A_56 : vector<16xf32> to vector<1x16xf32>
      tpu.vector_store %arg10[%swap3A_244, %swap3A_245], %swap3A_248 {strides = array<i32>} : memref<128x128xf32, #tpu.memory_space<vmem>>, vector<1x16xf32>,
      %swap3A_249 = arith.index_cast %add3A_239 : i32 to index
      %swap3A_250 = arith.constant 32 : index
      %swap3A_251 = tpu.vector_load %arg10[%swap3A_249, %swap3A_250] {strides = array<i32>} : memref<128x128xf32, #tpu.memory_space<vmem>>, vector<1x16xf32>,
      %swap3A_252 = vector.shape_cast %swap3A_251 : vector<1x16xf32> to vector<16xf32>
      %swap3A_253 = vector.shape_cast %broadcast_in_dim3A_56 : vector<16xf32> to vector<1x16xf32>
      tpu.vector_store %arg10[%swap3A_249, %swap3A_250], %swap3A_253 {strides = array<i32>} : memref<128x128xf32, #tpu.memory_space<vmem>>, vector<1x16xf32>,
      %swap3A_254 = arith.index_cast %add3A_239 : i32 to index
      %swap3A_255 = arith.constant 48 : index
      %swap3A_256 = tpu.vector_load %arg10[%swap3A_254, %swap3A_255] {strides = array<i32>} : memref<128x128xf32, #tpu.memory_space<vmem>>, vector<1x16xf32>,
      %swap3A_257 = vector.shape_cast %swap3A_256 : vector<1x16xf32> to vector<16xf32>
      %swap3A_258 = vector.shape_cast %broadcast_in_dim3A_56 : vector<16xf32> to vector<1x16xf32>
      tpu.vector_store %arg10[%swap3A_254, %swap3A_255], %swap3A_258 {strides = array<i32>} : memref<128x128xf32, #tpu.memory_space<vmem>>, vector<1x16xf32>,
      %swap3A_259 = arith.index_cast %add3A_239 : i32 to index
      %swap3A_260 = arith.constant 64 : index
      %swap3A_261 = tpu.vector_load %arg10[%swap3A_259, %swap3A_260] {strides = array<i32>} : memref<128x128xf32, #tpu.memory_space<vmem>>, vector<1x16xf32>,
      %swap3A_262 = vector.shape_cast %swap3A_261 : vector<1x16xf32> to vector<16xf32>
      %swap3A_263 = vector.shape_cast %broadcast_in_dim3A_56 : vector<16xf32> to vector<1x16xf32>
      tpu.vector_store %arg10[%swap3A_259, %swap3A_260], %swap3A_263 {strides = array<i32>} : memref<128x128xf32, #tpu.memory_space<vmem>>, vector<1x16xf32>,
      %swap3A_264 = arith.index_cast %add3A_239 : i32 to index
      %swap3A_265 = arith.constant 80 : index
      %swap3A_266 = tpu.vector_load %arg10[%swap3A_264, %swap3A_265] {strides = array<i32>} : memref<128x128xf32, #tpu.memory_space<vmem>>, vector<1x16xf32>,
      %swap3A_267 = vector.shape_cast %swap3A_266 : vector<1x16xf32> to vector<16xf32>
      %swap3A_268 = vector.shape_cast %broadcast_in_dim3A_56 : vector<16xf32> to vector<1x16xf32>
      tpu.vector_store %arg10[%swap3A_264, %swap3A_265], %swap3A_268 {strides = array<i32>} : memref<128x128xf32, #tpu.memory_space<vmem>>, vector<1x16xf32>,
      %swap3A_269 = arith.index_cast %add3A_239 : i32 to index
      %swap3A_270 = arith.constant 96 : index
      %swap3A_271 = tpu.vector_load %arg10[%swap3A_269, %swap3A_270] {strides = array<i32>} : memref<128x128xf32, #tpu.memory_space<vmem>>, vector<1x16xf32>,
      %swap3A_272 = vector.shape_cast %swap3A_271 : vector<1x16xf32> to vector<16xf32>
      %swap3A_273 = vector.shape_cast %broadcast_in_dim3A_56 : vector<16xf32> to vector<1x16xf32>
      tpu.vector_store %arg10[%swap3A_269, %swap3A_270], %swap3A_273 {strides = array<i32>} : memref<128x128xf32, #tpu.memory_space<vmem>>, vector<1x16xf32>,
      %swap3A_274 = arith.index_cast %add3A_239 : i32 to index
      %swap3A_275 = arith.constant 112 : index
      %swap3A_276 = tpu.vector_load %arg10[%swap3A_274, %swap3A_275] {strides = array<i32>} : memref<128x128xf32, #tpu.memory_space<vmem>>, vector<1x16xf32>,
      %swap3A_277 = vector.shape_cast %swap3A_276 : vector<1x16xf32> to vector<16xf32>
      %swap3A_278 = vector.shape_cast %broadcast_in_dim3A_56 : vector<16xf32> to vector<1x16xf32>
      tpu.vector_store %arg10[%swap3A_274, %swap3A_275], %swap3A_278 {strides = array<i32>} : memref<128x128xf32, #tpu.memory_space<vmem>>, vector<1x16xf32>,
    }
    %scan3A_60 = arith.constant 128 : i32
    %mul3A_61 = arith.constant 640 : i32
    %mul3A_62 = arith.muli %arg1, %mul3A_61 : i32
    %add3A_63 = arith.constant 0 : i32
    %add3A_64 = arith.addi %mul3A_62, %add3A_63 : i32
    %dma_start3A_65 = arith.constant 0 : i32
    %dma_start3A_66 = tpu.memref_slice %arg6[%add3A_64, %dma_start3A_65] : memref<10240x128xf32, #tpu.memory_space<vmem_shared>> -> memref<128x128xf32, #tpu.memory_space<vmem_shared>>
    %dma_start3A_67 = arith.constant 0 : i32
    %dma_start3A_68 = tpu.memref_slice %arg6[%add3A_64, %dma_start3A_67] : memref<10240x128xf32, #tpu.memory_space<vmem_shared>> -> memref<128x128xf32, #tpu.memory_space<vmem_shared>>
    tpu.enqueue_dma source(%arg10 : memref<128x128xf32, #tpu.memory_space<vmem>>) target(%dma_start3A_68 : memref<128x128xf32, #tpu.memory_space<vmem_shared>>) target_semaphore(%arg15 : memref<!tpu.dma_semaphore, #tpu.memory_space<semaphore_mem>>)
    %mul3A_69 = arith.constant 640 : i32
    %mul3A_70 = arith.muli %arg1, %mul3A_69 : i32
    %add3A_71 = arith.constant 128 : i32
    %add3A_72 = arith.addi %mul3A_70, %add3A_71 : i32
    %dma_start3A_73 = arith.constant 0 : i32
    %dma_start3A_74 = tpu.memref_slice %arg6[%add3A_72, %dma_start3A_73] : memref<10240x128xf32, #tpu.memory_space<vmem_shared>> -> memref<128x128xf32, #tpu.memory_space<vmem_shared>>
    %dma_start3A_75 = arith.constant 0 : i32
    %dma_start3A_76 = tpu.memref_slice %arg6[%add3A_72, %dma_start3A_75] : memref<10240x128xf32, #tpu.memory_space<vmem_shared>> -> memref<128x128xf32, #tpu.memory_space<vmem_shared>>
    tpu.enqueue_dma source(%arg10 : memref<128x128xf32, #tpu.memory_space<vmem>>) target(%dma_start3A_76 : memref<128x128xf32, #tpu.memory_space<vmem_shared>>) target_semaphore(%arg15 : memref<!tpu.dma_semaphore, #tpu.memory_space<semaphore_mem>>)
    %mul3A_77 = arith.constant 640 : i32
    %mul3A_78 = arith.muli %arg1, %mul3A_77 : i32
    %add3A_79 = arith.constant 256 : i32
    %add3A_80 = arith.addi %mul3A_78, %add3A_79 : i32
    %dma_start3A_81 = arith.constant 0 : i32
    %dma_start3A_82 = tpu.memref_slice %arg6[%add3A_80, %dma_start3A_81] : memref<10240x128xf32, #tpu.memory_space<vmem_shared>> -> memref<128x128xf32, #tpu.memory_space<vmem_shared>>
    %dma_start3A_83 = arith.constant 0 : i32
    %dma_start3A_84 = tpu.memref_slice %arg6[%add3A_80, %dma_start3A_83] : memref<10240x128xf32, #tpu.memory_space<vmem_shared>> -> memref<128x128xf32, #tpu.memory_space<vmem_shared>>
    tpu.enqueue_dma source(%arg10 : memref<128x128xf32, #tpu.memory_space<vmem>>) target(%dma_start3A_84 : memref<128x128xf32, #tpu.memory_space<vmem_shared>>) target_semaphore(%arg15 : memref<!tpu.dma_semaphore, #tpu.memory_space<semaphore_mem>>)
    %mul3A_85 = arith.constant 640 : i32
    %mul3A_86 = arith.muli %arg1, %mul3A_85 : i32
    %add3A_87 = arith.constant 384 : i32
    %add3A_88 = arith.addi %mul3A_86, %add3A_87 : i32
    %dma_start3A_89 = arith.constant 0 : i32
    %dma_start3A_90 = tpu.memref_slice %arg6[%add3A_88, %dma_start3A_89] : memref<10240x128xf32, #tpu.memory_space<vmem_shared>> -> memref<128x128xf32, #tpu.memory_space<vmem_shared>>
    %dma_start3A_91 = arith.constant 0 : i32
    %dma_start3A_92 = tpu.memref_slice %arg6[%add3A_88, %dma_start3A_91] : memref<10240x128xf32, #tpu.memory_space<vmem_shared>> -> memref<128x128xf32, #tpu.memory_space<vmem_shared>>
    tpu.enqueue_dma source(%arg10 : memref<128x128xf32, #tpu.memory_space<vmem>>) target(%dma_start3A_92 : memref<128x128xf32, #tpu.memory_space<vmem_shared>>) target_semaphore(%arg15 : memref<!tpu.dma_semaphore, #tpu.memory_space<semaphore_mem>>)
    %mul3A_93 = arith.constant 640 : i32
    %mul3A_94 = arith.muli %arg1, %mul3A_93 : i32
    %add3A_95 = arith.constant 512 : i32
    %add3A_96 = arith.addi %mul3A_94, %add3A_95 : i32
    %dma_start3A_97 = arith.constant 0 : i32
    %dma_start3A_98 = tpu.memref_slice %arg6[%add3A_96, %dma_start3A_97] : memref<10240x128xf32, #tpu.memory_space<vmem_shared>> -> memref<128x128xf32, #tpu.memory_space<vmem_shared>>
    %dma_start3A_99 = arith.constant 0 : i32
    %dma_start3A_100 = tpu.memref_slice %arg6[%add3A_96, %dma_start3A_99] : memref<10240x128xf32, #tpu.memory_space<vmem_shared>> -> memref<128x128xf32, #tpu.memory_space<vmem_shared>>
    tpu.enqueue_dma source(%arg10 : memref<128x128xf32, #tpu.memory_space<vmem>>) target(%dma_start3A_100 : memref<128x128xf32, #tpu.memory_space<vmem_shared>>) target_semaphore(%arg15 : memref<!tpu.dma_semaphore, #tpu.memory_space<semaphore_mem>>)
    %dma_wait3A = arith.constant 0 : i32
    %dma_wait3A_101 = arith.constant 0 : i32
    %dma_wait3A_102 = arith.constant 0 : i32
    %dma_wait3A_103 = tpu.memref_slice %arg7[%dma_wait3A_101, %dma_wait3A_102] : memref<2x128xi32, #tpu.memory_space<vmem>> -> memref<1x128xi32, #tpu.memory_space<vmem>>
    %dma_wait3A_104 = tpu.memref_squeeze %dma_wait3A_103 : memref<1x128xi32, #tpu.memory_space<vmem>> -> memref<128xi32, #tpu.memory_space<vmem>>
    %dma_wait3A_105 = arith.constant 0 : i32
    %dma_wait3A_106 = tpu.memref_slice %arg3[%add3A, %dma_wait3A, %dma_wait3A_105] : memref<32x80x128xi32, #tpu.memory_space<hbm>> -> memref<1x1x128xi32, #tpu.memory_space<hbm>>
    %dma_wait3A_107 = tpu.memref_squeeze %dma_wait3A_106 : memref<1x1x128xi32, #tpu.memory_space<hbm>> -> memref<128xi32, #tpu.memory_space<hbm>>
    %dma_wait3A_108 = arith.constant 0 : i32
    %dma_wait3A_109 = tpu.memref_slice %arg7[%dma_wait3A_101, %dma_wait3A_108] : memref<2x128xi32, #tpu.memory_space<vmem>> -> memref<1x128xi32, #tpu.memory_space<vmem>>
    %dma_wait3A_110 = tpu.memref_squeeze %dma_wait3A_109 : memref<1x128xi32, #tpu.memory_space<vmem>> -> memref<128xi32, #tpu.memory_space<vmem>>
    %dma_wait3A_111 = arith.constant 0 : i32
    %dma_wait3A_112 = tpu.memref_slice %arg3[%add3A, %dma_wait3A, %dma_wait3A_111] : memref<32x80x128xi32, #tpu.memory_space<hbm>> -> memref<1x1x128xi32, #tpu.memory_space<hbm>>
    %dma_wait3A_113 = tpu.memref_squeeze %dma_wait3A_112 : memref<1x1x128xi32, #tpu.memory_space<hbm>> -> memref<128xi32, #tpu.memory_space<hbm>>
    tpu.wait_dma2 semaphore(%arg13 : memref<!tpu.dma_semaphore, #tpu.memory_space<semaphore_mem>>) src(%dma_wait3A_113 : memref<128xi32, #tpu.memory_space<hbm>>) dst(%dma_wait3A_110 : memref<128xi32, #tpu.memory_space<vmem>>)
    %dma_wait3A_114 = arith.constant 0 : i32
    %dma_wait3A_115 = arith.constant 0 : i32
    %dma_wait3A_116 = arith.constant 0 : i32
    %dma_wait3A_117 = tpu.memref_slice %arg8[%dma_wait3A_115, %dma_wait3A_116] : memref<2x128xi32, #tpu.memory_space<vmem>> -> memref<1x128xi32, #tpu.memory_space<vmem>>
    %dma_wait3A_118 = tpu.memref_squeeze %dma_wait3A_117 : memref<1x128xi32, #tpu.memory_space<vmem>> -> memref<128xi32, #tpu.memory_space<vmem>>
    %dma_wait3A_119 = arith.constant 0 : i32
    %dma_wait3A_120 = tpu.memref_slice %arg4[%add3A, %dma_wait3A_114, %dma_wait3A_119] : memref<32x80x128xi32, #tpu.memory_space<hbm>> -> memref<1x1x128xi32, #tpu.memory_space<hbm>>
    %dma_wait3A_121 = tpu.memref_squeeze %dma_wait3A_120 : memref<1x1x128xi32, #tpu.memory_space<hbm>> -> memref<128xi32, #tpu.memory_space<hbm>>
    %dma_wait3A_122 = arith.constant 0 : i32
    %dma_wait3A_123 = tpu.memref_slice %arg8[%dma_wait3A_115, %dma_wait3A_122] : memref<2x128xi32, #tpu.memory_space<vmem>> -> memref<1x128xi32, #tpu.memory_space<vmem>>
    %dma_wait3A_124 = tpu.memref_squeeze %dma_wait3A_123 : memref<1x128xi32, #tpu.memory_space<vmem>> -> memref<128xi32, #tpu.memory_space<vmem>>
    %dma_wait3A_125 = arith.constant 0 : i32
    %dma_wait3A_126 = tpu.memref_slice %arg4[%add3A, %dma_wait3A_114, %dma_wait3A_125] : memref<32x80x128xi32, #tpu.memory_space<hbm>> -> memref<1x1x128xi32, #tpu.memory_space<hbm>>
    %dma_wait3A_127 = tpu.memref_squeeze %dma_wait3A_126 : memref<1x1x128xi32, #tpu.memory_space<hbm>> -> memref<128xi32, #tpu.memory_space<hbm>>
    tpu.wait_dma2 semaphore(%arg13 : memref<!tpu.dma_semaphore, #tpu.memory_space<semaphore_mem>>) src(%dma_wait3A_127 : memref<128xi32, #tpu.memory_space<hbm>>) dst(%dma_wait3A_124 : memref<128xi32, #tpu.memory_space<vmem>>)
    %dma_start3A_128 = arith.constant 0 : i32
    %dma_start3A_129 = arith.constant 0 : i32
    %dma_start3A_130 = tpu.memref_slice %arg7[%dma_start3A_128, %dma_start3A_129] : memref<2x128xi32, #tpu.memory_space<vmem>> -> memref<1x128xi32, #tpu.memory_space<vmem>>
    %dma_start3A_131 = tpu.memref_squeeze %dma_start3A_130 : memref<1x128xi32, #tpu.memory_space<vmem>> -> memref<128xi32, #tpu.memory_space<vmem>>
    %dma_start3A_132 = arith.constant 0 : i32
    %dma_start3A_133 = arith.constant 0 : i32
    %dma_start3A_134 = tpu.memref_slice %arg2[%dma_start3A_132, %dma_start3A_133] : memref<10000x128xf32, #tpu.memory_space<hbm>> -> memref<10000x128xf32, #tpu.memory_space<hbm>>
    tpu.enqueue_indirect_dma source(%dma_start3A_134 : memref<10000x128xf32, #tpu.memory_space<hbm>>) target(%arg9 : memref<128x128xf32, #tpu.memory_space<vmem>>) offsets(%dma_start3A_131 : memref<128xi32, #tpu.memory_space<vmem>>) semaphore(%arg11 : memref<!tpu.dma_semaphore, #tpu.memory_space<semaphore_mem>>)
    %mul3A_135 = arith.constant 640 : i32
    %mul3A_136 = arith.muli %arg1, %mul3A_135 : i32
    %add3A_137 = arith.constant 0 : i32
    %add3A_138 = arith.addi %mul3A_136, %add3A_137 : i32
    %dma_wait3A_139 = arith.constant 0 : i32
    %dma_wait3A_140 = tpu.memref_slice %arg6[%add3A_138, %dma_wait3A_139] : memref<10240x128xf32, #tpu.memory_space<vmem_shared>> -> memref<128x128xf32, #tpu.memory_space<vmem_shared>>
    %dma_wait3A_141 = arith.constant 0 : i32
    %dma_wait3A_142 = tpu.memref_slice %arg6[%add3A_138, %dma_wait3A_141] : memref<10240x128xf32, #tpu.memory_space<vmem_shared>> -> memref<128x128xf32, #tpu.memory_space<vmem_shared>>
    tpu.wait_dma2 semaphore(%arg15 : memref<!tpu.dma_semaphore, #tpu.memory_space<semaphore_mem>>) src(%arg10 : memref<128x128xf32, #tpu.memory_space<vmem>>) dst(%dma_wait3A_142 : memref<128x128xf32, #tpu.memory_space<vmem_shared>>)
    %mul3A_143 = arith.constant 640 : i32
    %mul3A_144 = arith.muli %arg1, %mul3A_143 : i32
    %add3A_145 = arith.constant 128 : i32
    %add3A_146 = arith.addi %mul3A_144, %add3A_145 : i32
    %dma_wait3A_147 = arith.constant 0 : i32
    %dma_wait3A_148 = tpu.memref_slice %arg6[%add3A_146, %dma_wait3A_147] : memref<10240x128xf32, #tpu.memory_space<vmem_shared>> -> memref<128x128xf32, #tpu.memory_space<vmem_shared>>
    %dma_wait3A_149 = arith.constant 0 : i32
    %dma_wait3A_150 = tpu.memref_slice %arg6[%add3A_146, %dma_wait3A_149] : memref<10240x128xf32, #tpu.memory_space<vmem_shared>> -> memref<128x128xf32, #tpu.memory_space<vmem_shared>>
    tpu.wait_dma2 semaphore(%arg15 : memref<!tpu.dma_semaphore, #tpu.memory_space<semaphore_mem>>) src(%arg10 : memref<128x128xf32, #tpu.memory_space<vmem>>) dst(%dma_wait3A_150 : memref<128x128xf32, #tpu.memory_space<vmem_shared>>)
    %mul3A_151 = arith.constant 640 : i32
    %mul3A_152 = arith.muli %arg1, %mul3A_151 : i32
    %add3A_153 = arith.constant 256 : i32
    %add3A_154 = arith.addi %mul3A_152, %add3A_153 : i32
    %dma_wait3A_155 = arith.constant 0 : i32
    %dma_wait3A_156 = tpu.memref_slice %arg6[%add3A_154, %dma_wait3A_155] : memref<10240x128xf32, #tpu.memory_space<vmem_shared>> -> memref<128x128xf32, #tpu.memory_space<vmem_shared>>
    %dma_wait3A_157 = arith.constant 0 : i32
    %dma_wait3A_158 = tpu.memref_slice %arg6[%add3A_154, %dma_wait3A_157] : memref<10240x128xf32, #tpu.memory_space<vmem_shared>> -> memref<128x128xf32, #tpu.memory_space<vmem_shared>>
    tpu.wait_dma2 semaphore(%arg15 : memref<!tpu.dma_semaphore, #tpu.memory_space<semaphore_mem>>) src(%arg10 : memref<128x128xf32, #tpu.memory_space<vmem>>) dst(%dma_wait3A_158 : memref<128x128xf32, #tpu.memory_space<vmem_shared>>)
    %mul3A_159 = arith.constant 640 : i32
    %mul3A_160 = arith.muli %arg1, %mul3A_159 : i32
    %add3A_161 = arith.constant 384 : i32
    %add3A_162 = arith.addi %mul3A_160, %add3A_161 : i32
    %dma_wait3A_163 = arith.constant 0 : i32
    %dma_wait3A_164 = tpu.memref_slice %arg6[%add3A_162, %dma_wait3A_163] : memref<10240x128xf32, #tpu.memory_space<vmem_shared>> -> memref<128x128xf32, #tpu.memory_space<vmem_shared>>
    %dma_wait3A_165 = arith.constant 0 : i32
    %dma_wait3A_166 = tpu.memref_slice %arg6[%add3A_162, %dma_wait3A_165] : memref<10240x128xf32, #tpu.memory_space<vmem_shared>> -> memref<128x128xf32, #tpu.memory_space<vmem_shared>>
    tpu.wait_dma2 semaphore(%arg15 : memref<!tpu.dma_semaphore, #tpu.memory_space<semaphore_mem>>) src(%arg10 : memref<128x128xf32, #tpu.memory_space<vmem>>) dst(%dma_wait3A_166 : memref<128x128xf32, #tpu.memory_space<vmem_shared>>)
    %mul3A_167 = arith.constant 640 : i32
    %mul3A_168 = arith.muli %arg1, %mul3A_167 : i32
    %add3A_169 = arith.constant 512 : i32
    %add3A_170 = arith.addi %mul3A_168, %add3A_169 : i32
    %dma_wait3A_171 = arith.constant 0 : i32
    %dma_wait3A_172 = tpu.memref_slice %arg6[%add3A_170, %dma_wait3A_171] : memref<10240x128xf32, #tpu.memory_space<vmem_shared>> -> memref<128x128xf32, #tpu.memory_space<vmem_shared>>
    %dma_wait3A_173 = arith.constant 0 : i32
    %dma_wait3A_174 = tpu.memref_slice %arg6[%add3A_170, %dma_wait3A_173] : memref<10240x128xf32, #tpu.memory_space<vmem_shared>> -> memref<128x128xf32, #tpu.memory_space<vmem_shared>>
    tpu.wait_dma2 semaphore(%arg15 : memref<!tpu.dma_semaphore, #tpu.memory_space<semaphore_mem>>) src(%arg10 : memref<128x128xf32, #tpu.memory_space<vmem>>) dst(%dma_wait3A_174 : memref<128x128xf32, #tpu.memory_space<vmem_shared>>)
    %barrier3A = arith.constant 0 : index
    tpu.barrier barrier_id(%barrier3A)
    %scan3A_175 = arith.constant 0 : i32
    %scan3A_176 = arith.constant 39 : i32
    %scan3A_177 = arith.addi %scan3A_175, %scan3A_176 : i32
    %scan3A_178 = arith.constant 1 : i32
    scf.for %scan3A_235 = %scan3A_175 to %scan3A_177 step %scan3A_178  : i32 {
      %mul3A_236 = arith.constant 1 : i32
      %mul3A_237 = arith.muli %scan3A_235, %mul3A_236 : i32
      %add3A_238 = arith.constant 0 : i32
      %add3A_239 = arith.addi %add3A_238, %mul3A_237 : i32
      %mul3A_240 = arith.constant 2 : i32
      %mul3A_241 = arith.muli %add3A_239, %mul3A_240 : i32
      %dma_wait3A_242 = arith.constant 0 : i32
      %dma_wait3A_243 = arith.constant 1 : i32
      %dma_wait3A_244 = arith.constant 0 : i32
      %dma_wait3A_245 = tpu.memref_slice %arg7[%dma_wait3A_243, %dma_wait3A_244] : memref<2x128xi32, #tpu.memory_space<vmem>> -> memref<1x128xi32, #tpu.memory_space<vmem>>
      %dma_wait3A_246 = tpu.memref_squeeze %dma_wait3A_245 : memref<1x128xi32, #tpu.memory_space<vmem>> -> memref<128xi32, #tpu.memory_space<vmem>>
      %dma_wait3A_247 = arith.constant 0 : i32
      %dma_wait3A_248 = tpu.memref_slice %arg3[%add3A, %dma_wait3A_242, %dma_wait3A_247] : memref<32x80x128xi32, #tpu.memory_space<hbm>> -> memref<1x1x128xi32, #tpu.memory_space<hbm>>
      %dma_wait3A_249 = tpu.memref_squeeze %dma_wait3A_248 : memref<1x1x128xi32, #tpu.memory_space<hbm>> -> memref<128xi32, #tpu.memory_space<hbm>>
      %dma_wait3A_250 = arith.constant 0 : i32
      %dma_wait3A_251 = tpu.memref_slice %arg7[%dma_wait3A_243, %dma_wait3A_250] : memref<2x128xi32, #tpu.memory_space<vmem>> -> memref<1x128xi32, #tpu.memory_space<vmem>>
      %dma_wait3A_252 = tpu.memref_squeeze %dma_wait3A_251 : memref<1x128xi32, #tpu.memory_space<vmem>> -> memref<128xi32, #tpu.memory_space<vmem>>
      %dma_wait3A_253 = arith.constant 0 : i32
      %dma_wait3A_254 = tpu.memref_slice %arg3[%add3A, %dma_wait3A_242, %dma_wait3A_253] : memref<32x80x128xi32, #tpu.memory_space<hbm>> -> memref<1x1x128xi32, #tpu.memory_space<hbm>>
      %dma_wait3A_255 = tpu.memref_squeeze %dma_wait3A_254 : memref<1x1x128xi32, #tpu.memory_space<hbm>> -> memref<128xi32, #tpu.memory_space<hbm>>
      tpu.wait_dma2 semaphore(%arg14 : memref<!tpu.dma_semaphore, #tpu.memory_space<semaphore_mem>>) src(%dma_wait3A_255 : memref<128xi32, #tpu.memory_space<hbm>>) dst(%dma_wait3A_252 : memref<128xi32, #tpu.memory_space<vmem>>)
      %dma_wait3A_256 = arith.constant 0 : i32
      %dma_wait3A_257 = arith.constant 1 : i32
      %dma_wait3A_258 = arith.constant 0 : i32
      %dma_wait3A_259 = tpu.memref_slice %arg8[%dma_wait3A_257, %dma_wait3A_258] : memref<2x128xi32, #tpu.memory_space<vmem>> -> memref<1x128xi32, #tpu.memory_space<vmem>>
      %dma_wait3A_260 = tpu.memref_squeeze %dma_wait3A_259 : memref<1x128xi32, #tpu.memory_space<vmem>> -> memref<128xi32, #tpu.memory_space<vmem>>
      %dma_wait3A_261 = arith.constant 0 : i32
      %dma_wait3A_262 = tpu.memref_slice %arg4[%add3A, %dma_wait3A_256, %dma_wait3A_261] : memref<32x80x128xi32, #tpu.memory_space<hbm>> -> memref<1x1x128xi32, #tpu.memory_space<hbm>>
      %dma_wait3A_263 = tpu.memref_squeeze %dma_wait3A_262 : memref<1x1x128xi32, #tpu.memory_space<hbm>> -> memref<128xi32, #tpu.memory_space<hbm>>
      %dma_wait3A_264 = arith.constant 0 : i32
      %dma_wait3A_265 = tpu.memref_slice %arg8[%dma_wait3A_257, %dma_wait3A_264] : memref<2x128xi32, #tpu.memory_space<vmem>> -> memref<1x128xi32, #tpu.memory_space<vmem>>
      %dma_wait3A_266 = tpu.memref_squeeze %dma_wait3A_265 : memref<1x128xi32, #tpu.memory_space<vmem>> -> memref<128xi32, #tpu.memory_space<vmem>>
      %dma_wait3A_267 = arith.constant 0 : i32
      %dma_wait3A_268 = tpu.memref_slice %arg4[%add3A, %dma_wait3A_256, %dma_wait3A_267] : memref<32x80x128xi32, #tpu.memory_space<hbm>> -> memref<1x1x128xi32, #tpu.memory_space<hbm>>
      %dma_wait3A_269 = tpu.memref_squeeze %dma_wait3A_268 : memref<1x1x128xi32, #tpu.memory_space<hbm>> -> memref<128xi32, #tpu.memory_space<hbm>>
      tpu.wait_dma2 semaphore(%arg14 : memref<!tpu.dma_semaphore, #tpu.memory_space<semaphore_mem>>) src(%dma_wait3A_269 : memref<128xi32, #tpu.memory_space<hbm>>) dst(%dma_wait3A_266 : memref<128xi32, #tpu.memory_space<vmem>>)
      %dma_start3A_270 = arith.constant 1 : i32
      %dma_start3A_271 = arith.constant 0 : i32
      %dma_start3A_272 = tpu.memref_slice %arg7[%dma_start3A_270, %dma_start3A_271] : memref<2x128xi32, #tpu.memory_space<vmem>> -> memref<1x128xi32, #tpu.memory_space<vmem>>
      %dma_start3A_273 = tpu.memref_squeeze %dma_start3A_272 : memref<1x128xi32, #tpu.memory_space<vmem>> -> memref<128xi32, #tpu.memory_space<vmem>>
      %dma_start3A_274 = arith.constant 0 : i32
      %dma_start3A_275 = arith.constant 0 : i32
      %dma_start3A_276 = tpu.memref_slice %arg2[%dma_start3A_274, %dma_start3A_275] : memref<10000x128xf32, #tpu.memory_space<hbm>> -> memref<10000x128xf32, #tpu.memory_space<hbm>>
      tpu.enqueue_indirect_dma source(%dma_start3A_276 : memref<10000x128xf32, #tpu.memory_space<hbm>>) target(%arg10 : memref<128x128xf32, #tpu.memory_space<vmem>>) offsets(%dma_start3A_273 : memref<128xi32, #tpu.memory_space<vmem>>) semaphore(%arg12 : memref<!tpu.dma_semaphore, #tpu.memory_space<semaphore_mem>>)
      %dma_wait3A_277 = arith.constant 0 : i32
      %dma_wait3A_278 = arith.constant 0 : i32
      %dma_wait3A_279 = tpu.memref_slice %arg7[%dma_wait3A_277, %dma_wait3A_278] : memref<2x128xi32, #tpu.memory_space<vmem>> -> memref<1x128xi32, #tpu.memory_space<vmem>>
      %dma_wait3A_280 = tpu.memref_squeeze %dma_wait3A_279 : memref<1x128xi32, #tpu.memory_space<vmem>> -> memref<128xi32, #tpu.memory_space<vmem>>
      %dma_wait3A_281 = arith.constant 0 : i32
      %dma_wait3A_282 = arith.constant 0 : i32
      %dma_wait3A_283 = tpu.memref_slice %arg2[%dma_wait3A_281, %dma_wait3A_282] : memref<10000x128xf32, #tpu.memory_space<hbm>> -> memref<10000x128xf32, #tpu.memory_space<hbm>>
      tpu.wait_indirect_dma semaphore(%arg11 : memref<!tpu.dma_semaphore, #tpu.memory_space<semaphore_mem>>) src(%dma_wait3A_283 : memref<10000x128xf32, #tpu.memory_space<hbm>>) dst(%arg9 : memref<128x128xf32, #tpu.memory_space<vmem>>)
      %run_scoped3A_284 = arith.constant 0 : i32
      "tpu.region"() ({
        %run_scoped3A_384 = tpu.sem_alloc : memref<!tpu.dma_semaphore, #tpu.memory_space<semaphore_mem>>
        %dma_start3A_385 = arith.constant 0 : i32
        %dma_start3A_386 = tpu.memref_slice %arg8[%run_scoped3A_284, %dma_start3A_385] : memref<2x128xi32, #tpu.memory_space<vmem>> -> memref<1x128xi32, #tpu.memory_space<vmem>>
        %dma_start3A_387 = tpu.memref_squeeze %dma_start3A_386 : memref<1x128xi32, #tpu.memory_space<vmem>> -> memref<128xi32, #tpu.memory_space<vmem>>
        %dma_start3A_388 = arith.constant 0 : i32
        %dma_start3A_389 = arith.constant 0 : i32
        %dma_start3A_390 = tpu.memref_slice %arg6[%dma_start3A_388, %dma_start3A_389] : memref<10240x128xf32, #tpu.memory_space<vmem_shared>> -> memref<10240x128xf32, #tpu.memory_space<vmem_shared>>
        tpu.enqueue_indirect_dma source(%arg9 : memref<128x128xf32, #tpu.memory_space<vmem>>) target(%dma_start3A_390 : memref<10240x128xf32, #tpu.memory_space<vmem_shared>>) offsets(%dma_start3A_387 : memref<128xi32, #tpu.memory_space<vmem>>) semaphore(%run_scoped3A_384 : memref<!tpu.dma_semaphore, #tpu.memory_space<semaphore_mem>>) {add = true}
        %dma_wait3A_391 = arith.constant 0 : i32
        %dma_wait3A_392 = tpu.memref_slice %arg8[%run_scoped3A_284, %dma_wait3A_391] : memref<2x128xi32, #tpu.memory_space<vmem>> -> memref<1x128xi32, #tpu.memory_space<vmem>>
        %dma_wait3A_393 = tpu.memref_squeeze %dma_wait3A_392 : memref<1x128xi32, #tpu.memory_space<vmem>> -> memref<128xi32, #tpu.memory_space<vmem>>
        %dma_wait3A_394 = arith.constant 0 : i32
        %dma_wait3A_395 = arith.constant 0 : i32
        %dma_wait3A_396 = tpu.memref_slice %arg6[%dma_wait3A_394, %dma_wait3A_395] : memref<10240x128xf32, #tpu.memory_space<vmem_shared>> -> memref<10240x128xf32, #tpu.memory_space<vmem_shared>>
        tpu.wait_indirect_dma semaphore(%run_scoped3A_384 : memref<!tpu.dma_semaphore, #tpu.memory_space<semaphore_mem>>) src(%arg9 : memref<128x128xf32, #tpu.memory_space<vmem>>) dst(%dma_wait3A_396 : memref<10240x128xf32, #tpu.memory_space<vmem_shared>>)
        tpu.yield
      }) : () -> ()
      %add3A_285 = arith.constant 2 : i32
      %add3A_286 = arith.addi %mul3A_241, %add3A_285 : i32
      %dma_start3A_287 = arith.constant 0 : i32
      %dma_start3A_288 = arith.constant 0 : i32
      %dma_start3A_289 = tpu.memref_slice %arg7[%dma_start3A_287, %dma_start3A_288] : memref<2x128xi32, #tpu.memory_space<vmem>> -> memref<1x128xi32, #tpu.memory_space<vmem>>
      %dma_start3A_290 = tpu.memref_squeeze %dma_start3A_289 : memref<1x128xi32, #tpu.memory_space<vmem>> -> memref<128xi32, #tpu.memory_space<vmem>>
      %dma_start3A_291 = arith.constant 0 : i32
      %dma_start3A_292 = tpu.memref_slice %arg3[%add3A, %add3A_286, %dma_start3A_291] : memref<32x80x128xi32, #tpu.memory_space<hbm>> -> memref<1x1x128xi32, #tpu.memory_space<hbm>>
      %dma_start3A_293 = tpu.memref_squeeze %dma_start3A_292 : memref<1x1x128xi32, #tpu.memory_space<hbm>> -> memref<128xi32, #tpu.memory_space<hbm>>
      %dma_start3A_294 = arith.constant 0 : i32
      %dma_start3A_295 = tpu.memref_slice %arg7[%dma_start3A_287, %dma_start3A_294] : memref<2x128xi32, #tpu.memory_space<vmem>> -> memref<1x128xi32, #tpu.memory_space<vmem>>
      %dma_start3A_296 = tpu.memref_squeeze %dma_start3A_295 : memref<1x128xi32, #tpu.memory_space<vmem>> -> memref<128xi32, #tpu.memory_space<vmem>>
      %dma_start3A_297 = arith.constant 0 : i32
      %dma_start3A_298 = tpu.memref_slice %arg3[%add3A, %add3A_286, %dma_start3A_297] : memref<32x80x128xi32, #tpu.memory_space<hbm>> -> memref<1x1x128xi32, #tpu.memory_space<hbm>>
      %dma_start3A_299 = tpu.memref_squeeze %dma_start3A_298 : memref<1x1x128xi32, #tpu.memory_space<hbm>> -> memref<128xi32, #tpu.memory_space<hbm>>
      tpu.enqueue_dma source(%dma_start3A_299 : memref<128xi32, #tpu.memory_space<hbm>>) target(%dma_start3A_296 : memref<128xi32, #tpu.memory_space<vmem>>) target_semaphore(%arg13 : memref<!tpu.dma_semaphore, #tpu.memory_space<semaphore_mem>>)
      %dma_start3A_300 = arith.constant 0 : i32
      %dma_start3A_301 = arith.constant 0 : i32
      %dma_start3A_302 = tpu.memref_slice %arg8[%dma_start3A_300, %dma_start3A_301] : memref<2x128xi32, #tpu.memory_space<vmem>> -> memref<1x128xi32, #tpu.memory_space<vmem>>
      %dma_start3A_303 = tpu.memref_squeeze %dma_start3A_302 : memref<1x128xi32, #tpu.memory_space<vmem>> -> memref<128xi32, #tpu.memory_space<vmem>>
      %dma_start3A_304 = arith.constant 0 : i32
      %dma_start3A_305 = tpu.memref_slice %arg4[%add3A, %add3A_286, %dma_start3A_304] : memref<32x80x128xi32, #tpu.memory_space<hbm>> -> memref<1x1x128xi32, #tpu.memory_space<hbm>>
      %dma_start3A_306 = tpu.memref_squeeze %dma_start3A_305 : memref<1x1x128xi32, #tpu.memory_space<hbm>> -> memref<128xi32, #tpu.memory_space<hbm>>
      %dma_start3A_307 = arith.constant 0 : i32
      %dma_start3A_308 = tpu.memref_slice %arg8[%dma_start3A_300, %dma_start3A_307] : memref<2x128xi32, #tpu.memory_space<vmem>> -> memref<1x128xi32, #tpu.memory_space<vmem>>
      %dma_start3A_309 = tpu.memref_squeeze %dma_start3A_308 : memref<1x128xi32, #tpu.memory_space<vmem>> -> memref<128xi32, #tpu.memory_space<vmem>>
      %dma_start3A_310 = arith.constant 0 : i32
      %dma_start3A_311 = tpu.memref_slice %arg4[%add3A, %add3A_286, %dma_start3A_310] : memref<32x80x128xi32, #tpu.memory_space<hbm>> -> memref<1x1x128xi32, #tpu.memory_space<hbm>>
      %dma_start3A_312 = tpu.memref_squeeze %dma_start3A_311 : memref<1x1x128xi32, #tpu.memory_space<hbm>> -> memref<128xi32, #tpu.memory_space<hbm>>
      tpu.enqueue_dma source(%dma_start3A_312 : memref<128xi32, #tpu.memory_space<hbm>>) target(%dma_start3A_309 : memref<128xi32, #tpu.memory_space<vmem>>) target_semaphore(%arg13 : memref<!tpu.dma_semaphore, #tpu.memory_space<semaphore_mem>>)
      %dma_wait3A_313 = arith.constant 1 : i32
      %dma_wait3A_314 = arith.constant 0 : i32
      %dma_wait3A_315 = tpu.memref_slice %arg7[%dma_wait3A_313, %dma_wait3A_314] : memref<2x128xi32, #tpu.memory_space<vmem>> -> memref<1x128xi32, #tpu.memory_space<vmem>>
      %dma_wait3A_316 = tpu.memref_squeeze %dma_wait3A_315 : memref<1x128xi32, #tpu.memory_space<vmem>> -> memref<128xi32, #tpu.memory_space<vmem>>
      %dma_wait3A_317 = arith.constant 0 : i32
      %dma_wait3A_318 = arith.constant 0 : i32
      %dma_wait3A_319 = tpu.memref_slice %arg2[%dma_wait3A_317, %dma_wait3A_318] : memref<10000x128xf32, #tpu.memory_space<hbm>> -> memref<10000x128xf32, #tpu.memory_space<hbm>>
      tpu.wait_indirect_dma semaphore(%arg12 : memref<!tpu.dma_semaphore, #tpu.memory_space<semaphore_mem>>) src(%dma_wait3A_319 : memref<10000x128xf32, #tpu.memory_space<hbm>>) dst(%arg10 : memref<128x128xf32, #tpu.memory_space<vmem>>)
      %run_scoped3A_320 = arith.constant 1 : i32
      "tpu.region"() ({
        %run_scoped3A_384 = tpu.sem_alloc : memref<!tpu.dma_semaphore, #tpu.memory_space<semaphore_mem>>
        %dma_start3A_385 = arith.constant 0 : i32
        %dma_start3A_386 = tpu.memref_slice %arg8[%run_scoped3A_320, %dma_start3A_385] : memref<2x128xi32, #tpu.memory_space<vmem>> -> memref<1x128xi32, #tpu.memory_space<vmem>>
        %dma_start3A_387 = tpu.memref_squeeze %dma_start3A_386 : memref<1x128xi32, #tpu.memory_space<vmem>> -> memref<128xi32, #tpu.memory_space<vmem>>
        %dma_start3A_388 = arith.constant 0 : i32
        %dma_start3A_389 = arith.constant 0 : i32
        %dma_start3A_390 = tpu.memref_slice %arg6[%dma_start3A_388, %dma_start3A_389] : memref<10240x128xf32, #tpu.memory_space<vmem_shared>> -> memref<10240x128xf32, #tpu.memory_space<vmem_shared>>
        tpu.enqueue_indirect_dma source(%arg10 : memref<128x128xf32, #tpu.memory_space<vmem>>) target(%dma_start3A_390 : memref<10240x128xf32, #tpu.memory_space<vmem_shared>>) offsets(%dma_start3A_387 : memref<128xi32, #tpu.memory_space<vmem>>) semaphore(%run_scoped3A_384 : memref<!tpu.dma_semaphore, #tpu.memory_space<semaphore_mem>>) {add = true}
        %dma_wait3A_391 = arith.constant 0 : i32
        %dma_wait3A_392 = tpu.memref_slice %arg8[%run_scoped3A_320, %dma_wait3A_391] : memref<2x128xi32, #tpu.memory_space<vmem>> -> memref<1x128xi32, #tpu.memory_space<vmem>>
        %dma_wait3A_393 = tpu.memref_squeeze %dma_wait3A_392 : memref<1x128xi32, #tpu.memory_space<vmem>> -> memref<128xi32, #tpu.memory_space<vmem>>
        %dma_wait3A_394 = arith.constant 0 : i32
        %dma_wait3A_395 = arith.constant 0 : i32
        %dma_wait3A_396 = tpu.memref_slice %arg6[%dma_wait3A_394, %dma_wait3A_395] : memref<10240x128xf32, #tpu.memory_space<vmem_shared>> -> memref<10240x128xf32, #tpu.memory_space<vmem_shared>>
        tpu.wait_indirect_dma semaphore(%run_scoped3A_384 : memref<!tpu.dma_semaphore, #tpu.memory_space<semaphore_mem>>) src(%arg10 : memref<128x128xf32, #tpu.memory_space<vmem>>) dst(%dma_wait3A_396 : memref<10240x128xf32, #tpu.memory_space<vmem_shared>>)
        tpu.yield
      }) : () -> ()
      %add3A_321 = arith.constant 3 : i32
      %add3A_322 = arith.addi %mul3A_241, %add3A_321 : i32
      %dma_start3A_323 = arith.constant 1 : i32
      %dma_start3A_324 = arith.constant 0 : i32
      %dma_start3A_325 = tpu.memref_slice %arg7[%dma_start3A_323, %dma_start3A_324] : memref<2x128xi32, #tpu.memory_space<vmem>> -> memref<1x128xi32, #tpu.memory_space<vmem>>
      %dma_start3A_326 = tpu.memref_squeeze %dma_start3A_325 : memref<1x128xi32, #tpu.memory_space<vmem>> -> memref<128xi32, #tpu.memory_space<vmem>>
      %dma_start3A_327 = arith.constant 0 : i32
      %dma_start3A_328 = tpu.memref_slice %arg3[%add3A, %add3A_322, %dma_start3A_327] : memref<32x80x128xi32, #tpu.memory_space<hbm>> -> memref<1x1x128xi32, #tpu.memory_space<hbm>>
      %dma_start3A_329 = tpu.memref_squeeze %dma_start3A_328 : memref<1x1x128xi32, #tpu.memory_space<hbm>> -> memref<128xi32, #tpu.memory_space<hbm>>
      %dma_start3A_330 = arith.constant 0 : i32
      %dma_start3A_331 = tpu.memref_slice %arg7[%dma_start3A_323, %dma_start3A_330] : memref<2x128xi32, #tpu.memory_space<vmem>> -> memref<1x128xi32, #tpu.memory_space<vmem>>
      %dma_start3A_332 = tpu.memref_squeeze %dma_start3A_331 : memref<1x128xi32, #tpu.memory_space<vmem>> -> memref<128xi32, #tpu.memory_space<vmem>>
      %dma_start3A_333 = arith.constant 0 : i32
      %dma_start3A_334 = tpu.memref_slice %arg3[%add3A, %add3A_322, %dma_start3A_333] : memref<32x80x128xi32, #tpu.memory_space<hbm>> -> memref<1x1x128xi32, #tpu.memory_space<hbm>>
      %dma_start3A_335 = tpu.memref_squeeze %dma_start3A_334 : memref<1x1x128xi32, #tpu.memory_space<hbm>> -> memref<128xi32, #tpu.memory_space<hbm>>
      tpu.enqueue_dma source(%dma_start3A_335 : memref<128xi32, #tpu.memory_space<hbm>>) target(%dma_start3A_332 : memref<128xi32, #tpu.memory_space<vmem>>) target_semaphore(%arg14 : memref<!tpu.dma_semaphore, #tpu.memory_space<semaphore_mem>>)
      %dma_start3A_336 = arith.constant 1 : i32
      %dma_start3A_337 = arith.constant 0 : i32
      %dma_start3A_338 = tpu.memref_slice %arg8[%dma_start3A_336, %dma_start3A_337] : memref<2x128xi32, #tpu.memory_space<vmem>> -> memref<1x128xi32, #tpu.memory_space<vmem>>
      %dma_start3A_339 = tpu.memref_squeeze %dma_start3A_338 : memref<1x128xi32, #tpu.memory_space<vmem>> -> memref<128xi32, #tpu.memory_space<vmem>>
      %dma_start3A_340 = arith.constant 0 : i32
      %dma_start3A_341 = tpu.memref_slice %arg4[%add3A, %add3A_322, %dma_start3A_340] : memref<32x80x128xi32, #tpu.memory_space<hbm>> -> memref<1x1x128xi32, #tpu.memory_space<hbm>>
      %dma_start3A_342 = tpu.memref_squeeze %dma_start3A_341 : memref<1x1x128xi32, #tpu.memory_space<hbm>> -> memref<128xi32, #tpu.memory_space<hbm>>
      %dma_start3A_343 = arith.constant 0 : i32
      %dma_start3A_344 = tpu.memref_slice %arg8[%dma_start3A_336, %dma_start3A_343] : memref<2x128xi32, #tpu.memory_space<vmem>> -> memref<1x128xi32, #tpu.memory_space<vmem>>
      %dma_start3A_345 = tpu.memref_squeeze %dma_start3A_344 : memref<1x128xi32, #tpu.memory_space<vmem>> -> memref<128xi32, #tpu.memory_space<vmem>>
      %dma_start3A_346 = arith.constant 0 : i32
      %dma_start3A_347 = tpu.memref_slice %arg4[%add3A, %add3A_322, %dma_start3A_346] : memref<32x80x128xi32, #tpu.memory_space<hbm>> -> memref<1x1x128xi32, #tpu.memory_space<hbm>>
      %dma_start3A_348 = tpu.memref_squeeze %dma_start3A_347 : memref<1x1x128xi32, #tpu.memory_space<hbm>> -> memref<128xi32, #tpu.memory_space<hbm>>
      tpu.enqueue_dma source(%dma_start3A_348 : memref<128xi32, #tpu.memory_space<hbm>>) target(%dma_start3A_345 : memref<128xi32, #tpu.memory_space<vmem>>) target_semaphore(%arg14 : memref<!tpu.dma_semaphore, #tpu.memory_space<semaphore_mem>>)
      %dma_wait3A_349 = arith.constant 0 : i32
      %dma_wait3A_350 = arith.constant 0 : i32
      %dma_wait3A_351 = arith.constant 0 : i32
      %dma_wait3A_352 = tpu.memref_slice %arg7[%dma_wait3A_350, %dma_wait3A_351] : memref<2x128xi32, #tpu.memory_space<vmem>> -> memref<1x128xi32, #tpu.memory_space<vmem>>
      %dma_wait3A_353 = tpu.memref_squeeze %dma_wait3A_352 : memref<1x128xi32, #tpu.memory_space<vmem>> -> memref<128xi32, #tpu.memory_space<vmem>>
      %dma_wait3A_354 = arith.constant 0 : i32
      %dma_wait3A_355 = tpu.memref_slice %arg3[%add3A, %dma_wait3A_349, %dma_wait3A_354] : memref<32x80x128xi32, #tpu.memory_space<hbm>> -> memref<1x1x128xi32, #tpu.memory_space<hbm>>
      %dma_wait3A_356 = tpu.memref_squeeze %dma_wait3A_355 : memref<1x1x128xi32, #tpu.memory_space<hbm>> -> memref<128xi32, #tpu.memory_space<hbm>>
      %dma_wait3A_357 = arith.constant 0 : i32
      %dma_wait3A_358 = tpu.memref_slice %arg7[%dma_wait3A_350, %dma_wait3A_357] : memref<2x128xi32, #tpu.memory_space<vmem>> -> memref<1x128xi32, #tpu.memory_space<vmem>>
      %dma_wait3A_359 = tpu.memref_squeeze %dma_wait3A_358 : memref<1x128xi32, #tpu.memory_space<vmem>> -> memref<128xi32, #tpu.memory_space<vmem>>
      %dma_wait3A_360 = arith.constant 0 : i32
      %dma_wait3A_361 = tpu.memref_slice %arg3[%add3A, %dma_wait3A_349, %dma_wait3A_360] : memref<32x80x128xi32, #tpu.memory_space<hbm>> -> memref<1x1x128xi32, #tpu.memory_space<hbm>>
      %dma_wait3A_362 = tpu.memref_squeeze %dma_wait3A_361 : memref<1x1x128xi32, #tpu.memory_space<hbm>> -> memref<128xi32, #tpu.memory_space<hbm>>
      tpu.wait_dma2 semaphore(%arg13 : memref<!tpu.dma_semaphore, #tpu.memory_space<semaphore_mem>>) src(%dma_wait3A_362 : memref<128xi32, #tpu.memory_space<hbm>>) dst(%dma_wait3A_359 : memref<128xi32, #tpu.memory_space<vmem>>)
      %dma_wait3A_363 = arith.constant 0 : i32
      %dma_wait3A_364 = arith.constant 0 : i32
      %dma_wait3A_365 = arith.constant 0 : i32
      %dma_wait3A_366 = tpu.memref_slice %arg8[%dma_wait3A_364, %dma_wait3A_365] : memref<2x128xi32, #tpu.memory_space<vmem>> -> memref<1x128xi32, #tpu.memory_space<vmem>>
      %dma_wait3A_367 = tpu.memref_squeeze %dma_wait3A_366 : memref<1x128xi32, #tpu.memory_space<vmem>> -> memref<128xi32, #tpu.memory_space<vmem>>
      %dma_wait3A_368 = arith.constant 0 : i32
      %dma_wait3A_369 = tpu.memref_slice %arg4[%add3A, %dma_wait3A_363, %dma_wait3A_368] : memref<32x80x128xi32, #tpu.memory_space<hbm>> -> memref<1x1x128xi32, #tpu.memory_space<hbm>>
      %dma_wait3A_370 = tpu.memref_squeeze %dma_wait3A_369 : memref<1x1x128xi32, #tpu.memory_space<hbm>> -> memref<128xi32, #tpu.memory_space<hbm>>
      %dma_wait3A_371 = arith.constant 0 : i32
      %dma_wait3A_372 = tpu.memref_slice %arg8[%dma_wait3A_364, %dma_wait3A_371] : memref<2x128xi32, #tpu.memory_space<vmem>> -> memref<1x128xi32, #tpu.memory_space<vmem>>
      %dma_wait3A_373 = tpu.memref_squeeze %dma_wait3A_372 : memref<1x128xi32, #tpu.memory_space<vmem>> -> memref<128xi32, #tpu.memory_space<vmem>>
      %dma_wait3A_374 = arith.constant 0 : i32
      %dma_wait3A_375 = tpu.memref_slice %arg4[%add3A, %dma_wait3A_363, %dma_wait3A_374] : memref<32x80x128xi32, #tpu.memory_space<hbm>> -> memref<1x1x128xi32, #tpu.memory_space<hbm>>
      %dma_wait3A_376 = tpu.memref_squeeze %dma_wait3A_375 : memref<1x1x128xi32, #tpu.memory_space<hbm>> -> memref<128xi32, #tpu.memory_space<hbm>>
      tpu.wait_dma2 semaphore(%arg13 : memref<!tpu.dma_semaphore, #tpu.memory_space<semaphore_mem>>) src(%dma_wait3A_376 : memref<128xi32, #tpu.memory_space<hbm>>) dst(%dma_wait3A_373 : memref<128xi32, #tpu.memory_space<vmem>>)
      %dma_start3A_377 = arith.constant 0 : i32
      %dma_start3A_378 = arith.constant 0 : i32
      %dma_start3A_379 = tpu.memref_slice %arg7[%dma_start3A_377, %dma_start3A_378] : memref<2x128xi32, #tpu.memory_space<vmem>> -> memref<1x128xi32, #tpu.memory_space<vmem>>
      %dma_start3A_380 = tpu.memref_squeeze %dma_start3A_379 : memref<1x128xi32, #tpu.memory_space<vmem>> -> memref<128xi32, #tpu.memory_space<vmem>>
      %dma_start3A_381 = arith.constant 0 : i32
      %dma_start3A_382 = arith.constant 0 : i32
      %dma_start3A_383 = tpu.memref_slice %arg2[%dma_start3A_381, %dma_start3A_382] : memref<10000x128xf32, #tpu.memory_space<hbm>> -> memref<10000x128xf32, #tpu.memory_space<hbm>>
      tpu.enqueue_indirect_dma source(%dma_start3A_383 : memref<10000x128xf32, #tpu.memory_space<hbm>>) target(%arg9 : memref<128x128xf32, #tpu.memory_space<vmem>>) offsets(%dma_start3A_380 : memref<128xi32, #tpu.memory_space<vmem>>) semaphore(%arg11 : memref<!tpu.dma_semaphore, #tpu.memory_space<semaphore_mem>>)
    }
    %scan3A_179 = arith.constant 39 : i32
    %dma_wait3A_180 = arith.constant 0 : i32
    %dma_wait3A_181 = arith.constant 1 : i32
    %dma_wait3A_182 = arith.constant 0 : i32
    %dma_wait3A_183 = tpu.memref_slice %arg7[%dma_wait3A_181, %dma_wait3A_182] : memref<2x128xi32, #tpu.memory_space<vmem>> -> memref<1x128xi32, #tpu.memory_space<vmem>>
    %dma_wait3A_184 = tpu.memref_squeeze %dma_wait3A_183 : memref<1x128xi32, #tpu.memory_space<vmem>> -> memref<128xi32, #tpu.memory_space<vmem>>
    %dma_wait3A_185 = arith.constant 0 : i32
    %dma_wait3A_186 = tpu.memref_slice %arg3[%add3A, %dma_wait3A_180, %dma_wait3A_185] : memref<32x80x128xi32, #tpu.memory_space<hbm>> -> memref<1x1x128xi32, #tpu.memory_space<hbm>>
    %dma_wait3A_187 = tpu.memref_squeeze %dma_wait3A_186 : memref<1x1x128xi32, #tpu.memory_space<hbm>> -> memref<128xi32, #tpu.memory_space<hbm>>
    %dma_wait3A_188 = arith.constant 0 : i32
    %dma_wait3A_189 = tpu.memref_slice %arg7[%dma_wait3A_181, %dma_wait3A_188] : memref<2x128xi32, #tpu.memory_space<vmem>> -> memref<1x128xi32, #tpu.memory_space<vmem>>
    %dma_wait3A_190 = tpu.memref_squeeze %dma_wait3A_189 : memref<1x128xi32, #tpu.memory_space<vmem>> -> memref<128xi32, #tpu.memory_space<vmem>>
    %dma_wait3A_191 = arith.constant 0 : i32
    %dma_wait3A_192 = tpu.memref_slice %arg3[%add3A, %dma_wait3A_180, %dma_wait3A_191] : memref<32x80x128xi32, #tpu.memory_space<hbm>> -> memref<1x1x128xi32, #tpu.memory_space<hbm>>
    %dma_wait3A_193 = tpu.memref_squeeze %dma_wait3A_192 : memref<1x1x128xi32, #tpu.memory_space<hbm>> -> memref<128xi32, #tpu.memory_space<hbm>>
    tpu.wait_dma2 semaphore(%arg14 : memref<!tpu.dma_semaphore, #tpu.memory_space<semaphore_mem>>) src(%dma_wait3A_193 : memref<128xi32, #tpu.memory_space<hbm>>) dst(%dma_wait3A_190 : memref<128xi32, #tpu.memory_space<vmem>>)
    %dma_wait3A_194 = arith.constant 0 : i32
    %dma_wait3A_195 = arith.constant 1 : i32
    %dma_wait3A_196 = arith.constant 0 : i32
    %dma_wait3A_197 = tpu.memref_slice %arg8[%dma_wait3A_195, %dma_wait3A_196] : memref<2x128xi32, #tpu.memory_space<vmem>> -> memref<1x128xi32, #tpu.memory_space<vmem>>
    %dma_wait3A_198 = tpu.memref_squeeze %dma_wait3A_197 : memref<1x128xi32, #tpu.memory_space<vmem>> -> memref<128xi32, #tpu.memory_space<vmem>>
    %dma_wait3A_199 = arith.constant 0 : i32
    %dma_wait3A_200 = tpu.memref_slice %arg4[%add3A, %dma_wait3A_194, %dma_wait3A_199] : memref<32x80x128xi32, #tpu.memory_space<hbm>> -> memref<1x1x128xi32, #tpu.memory_space<hbm>>
    %dma_wait3A_201 = tpu.memref_squeeze %dma_wait3A_200 : memref<1x1x128xi32, #tpu.memory_space<hbm>> -> memref<128xi32, #tpu.memory_space<hbm>>
    %dma_wait3A_202 = arith.constant 0 : i32
    %dma_wait3A_203 = tpu.memref_slice %arg8[%dma_wait3A_195, %dma_wait3A_202] : memref<2x128xi32, #tpu.memory_space<vmem>> -> memref<1x128xi32, #tpu.memory_space<vmem>>
    %dma_wait3A_204 = tpu.memref_squeeze %dma_wait3A_203 : memref<1x128xi32, #tpu.memory_space<vmem>> -> memref<128xi32, #tpu.memory_space<vmem>>
    %dma_wait3A_205 = arith.constant 0 : i32
    %dma_wait3A_206 = tpu.memref_slice %arg4[%add3A, %dma_wait3A_194, %dma_wait3A_205] : memref<32x80x128xi32, #tpu.memory_space<hbm>> -> memref<1x1x128xi32, #tpu.memory_space<hbm>>
    %dma_wait3A_207 = tpu.memref_squeeze %dma_wait3A_206 : memref<1x1x128xi32, #tpu.memory_space<hbm>> -> memref<128xi32, #tpu.memory_space<hbm>>
    tpu.wait_dma2 semaphore(%arg14 : memref<!tpu.dma_semaphore, #tpu.memory_space<semaphore_mem>>) src(%dma_wait3A_207 : memref<128xi32, #tpu.memory_space<hbm>>) dst(%dma_wait3A_204 : memref<128xi32, #tpu.memory_space<vmem>>)
    %dma_start3A_208 = arith.constant 1 : i32
    %dma_start3A_209 = arith.constant 0 : i32
    %dma_start3A_210 = tpu.memref_slice %arg7[%dma_start3A_208, %dma_start3A_209] : memref<2x128xi32, #tpu.memory_space<vmem>> -> memref<1x128xi32, #tpu.memory_space<vmem>>
    %dma_start3A_211 = tpu.memref_squeeze %dma_start3A_210 : memref<1x128xi32, #tpu.memory_space<vmem>> -> memref<128xi32, #tpu.memory_space<vmem>>
    %dma_start3A_212 = arith.constant 0 : i32
    %dma_start3A_213 = arith.constant 0 : i32
    %dma_start3A_214 = tpu.memref_slice %arg2[%dma_start3A_212, %dma_start3A_213] : memref<10000x128xf32, #tpu.memory_space<hbm>> -> memref<10000x128xf32, #tpu.memory_space<hbm>>
    tpu.enqueue_indirect_dma source(%dma_start3A_214 : memref<10000x128xf32, #tpu.memory_space<hbm>>) target(%arg10 : memref<128x128xf32, #tpu.memory_space<vmem>>) offsets(%dma_start3A_211 : memref<128xi32, #tpu.memory_space<vmem>>) semaphore(%arg12 : memref<!tpu.dma_semaphore, #tpu.memory_space<semaphore_mem>>)
    %dma_wait3A_215 = arith.constant 0 : i32
    %dma_wait3A_216 = arith.constant 0 : i32
    %dma_wait3A_217 = tpu.memref_slice %arg7[%dma_wait3A_215, %dma_wait3A_216] : memref<2x128xi32, #tpu.memory_space<vmem>> -> memref<1x128xi32, #tpu.memory_space<vmem>>
    %dma_wait3A_218 = tpu.memref_squeeze %dma_wait3A_217 : memref<1x128xi32, #tpu.memory_space<vmem>> -> memref<128xi32, #tpu.memory_space<vmem>>
    %dma_wait3A_219 = arith.constant 0 : i32
    %dma_wait3A_220 = arith.constant 0 : i32
    %dma_wait3A_221 = tpu.memref_slice %arg2[%dma_wait3A_219, %dma_wait3A_220] : memref<10000x128xf32, #tpu.memory_space<hbm>> -> memref<10000x128xf32, #tpu.memory_space<hbm>>
    tpu.wait_indirect_dma semaphore(%arg11 : memref<!tpu.dma_semaphore, #tpu.memory_space<semaphore_mem>>) src(%dma_wait3A_221 : memref<10000x128xf32, #tpu.memory_space<hbm>>) dst(%arg9 : memref<128x128xf32, #tpu.memory_space<vmem>>)
    %run_scoped3A = arith.constant 0 : i32
    "tpu.region"() ({
      %run_scoped3A_235 = tpu.sem_alloc : memref<!tpu.dma_semaphore, #tpu.memory_space<semaphore_mem>>
      %dma_start3A_236 = arith.constant 0 : i32
      %dma_start3A_237 = tpu.memref_slice %arg8[%run_scoped3A, %dma_start3A_236] : memref<2x128xi32, #tpu.memory_space<vmem>> -> memref<1x128xi32, #tpu.memory_space<vmem>>
      %dma_start3A_238 = tpu.memref_squeeze %dma_start3A_237 : memref<1x128xi32, #tpu.memory_space<vmem>> -> memref<128xi32, #tpu.memory_space<vmem>>
      %dma_start3A_239 = arith.constant 0 : i32
      %dma_start3A_240 = arith.constant 0 : i32
      %dma_start3A_241 = tpu.memref_slice %arg6[%dma_start3A_239, %dma_start3A_240] : memref<10240x128xf32, #tpu.memory_space<vmem_shared>> -> memref<10240x128xf32, #tpu.memory_space<vmem_shared>>
      tpu.enqueue_indirect_dma source(%arg9 : memref<128x128xf32, #tpu.memory_space<vmem>>) target(%dma_start3A_241 : memref<10240x128xf32, #tpu.memory_space<vmem_shared>>) offsets(%dma_start3A_238 : memref<128xi32, #tpu.memory_space<vmem>>) semaphore(%run_scoped3A_235 : memref<!tpu.dma_semaphore, #tpu.memory_space<semaphore_mem>>) {add = true}
      %dma_wait3A_242 = arith.constant 0 : i32
      %dma_wait3A_243 = tpu.memref_slice %arg8[%run_scoped3A, %dma_wait3A_242] : memref<2x128xi32, #tpu.memory_space<vmem>> -> memref<1x128xi32, #tpu.memory_space<vmem>>
      %dma_wait3A_244 = tpu.memref_squeeze %dma_wait3A_243 : memref<1x128xi32, #tpu.memory_space<vmem>> -> memref<128xi32, #tpu.memory_space<vmem>>
      %dma_wait3A_245 = arith.constant 0 : i32
      %dma_wait3A_246 = arith.constant 0 : i32
      %dma_wait3A_247 = tpu.memref_slice %arg6[%dma_wait3A_245, %dma_wait3A_246] : memref<10240x128xf32, #tpu.memory_space<vmem_shared>> -> memref<10240x128xf32, #tpu.memory_space<vmem_shared>>
      tpu.wait_indirect_dma semaphore(%run_scoped3A_235 : memref<!tpu.dma_semaphore, #tpu.memory_space<semaphore_mem>>) src(%arg9 : memref<128x128xf32, #tpu.memory_space<vmem>>) dst(%dma_wait3A_247 : memref<10240x128xf32, #tpu.memory_space<vmem_shared>>)
      tpu.yield
    }) : () -> ()
    %dma_wait3A_222 = arith.constant 1 : i32
    %dma_wait3A_223 = arith.constant 0 : i32
    %dma_wait3A_224 = tpu.memref_slice %arg7[%dma_wait3A_222, %dma_wait3A_223] : memref<2x128xi32, #tpu.memory_space<vmem>> -> memref<1x128xi32, #tpu.memory_space<vmem>>
    %dma_wait3A_225 = tpu.memref_squeeze %dma_wait3A_224 : memref<1x128xi32, #tpu.memory_space<vmem>> -> memref<128xi32, #tpu.memory_space<vmem>>
    %dma_wait3A_226 = arith.constant 0 : i32
    %dma_wait3A_227 = arith.constant 0 : i32
    %dma_wait3A_228 = tpu.memref_slice %arg2[%dma_wait3A_226, %dma_wait3A_227] : memref<10000x128xf32, #tpu.memory_space<hbm>> -> memref<10000x128xf32, #tpu.memory_space<hbm>>
    tpu.wait_indirect_dma semaphore(%arg12 : memref<!tpu.dma_semaphore, #tpu.memory_space<semaphore_mem>>) src(%dma_wait3A_228 : memref<10000x128xf32, #tpu.memory_space<hbm>>) dst(%arg10 : memref<128x128xf32, #tpu.memory_space<vmem>>)
    %run_scoped3A_229 = arith.constant 1 : i32
    "tpu.region"() ({
      %run_scoped3A_235 = tpu.sem_alloc : memref<!tpu.dma_semaphore, #tpu.memory_space<semaphore_mem>>
      %dma_start3A_236 = arith.constant 0 : i32
      %dma_start3A_237 = tpu.memref_slice %arg8[%run_scoped3A_229, %dma_start3A_236] : memref<2x128xi32, #tpu.memory_space<vmem>> -> memref<1x128xi32, #tpu.memory_space<vmem>>
      %dma_start3A_238 = tpu.memref_squeeze %dma_start3A_237 : memref<1x128xi32, #tpu.memory_space<vmem>> -> memref<128xi32, #tpu.memory_space<vmem>>
      %dma_start3A_239 = arith.constant 0 : i32
      %dma_start3A_240 = arith.constant 0 : i32
      %dma_start3A_241 = tpu.memref_slice %arg6[%dma_start3A_239, %dma_start3A_240] : memref<10240x128xf32, #tpu.memory_space<vmem_shared>> -> memref<10240x128xf32, #tpu.memory_space<vmem_shared>>
      tpu.enqueue_indirect_dma source(%arg10 : memref<128x128xf32, #tpu.memory_space<vmem>>) target(%dma_start3A_241 : memref<10240x128xf32, #tpu.memory_space<vmem_shared>>) offsets(%dma_start3A_238 : memref<128xi32, #tpu.memory_space<vmem>>) semaphore(%run_scoped3A_235 : memref<!tpu.dma_semaphore, #tpu.memory_space<semaphore_mem>>) {add = true}
      %dma_wait3A_242 = arith.constant 0 : i32
      %dma_wait3A_243 = tpu.memref_slice %arg8[%run_scoped3A_229, %dma_wait3A_242] : memref<2x128xi32, #tpu.memory_space<vmem>> -> memref<1x128xi32, #tpu.memory_space<vmem>>
      %dma_wait3A_244 = tpu.memref_squeeze %dma_wait3A_243 : memref<1x128xi32, #tpu.memory_space<vmem>> -> memref<128xi32, #tpu.memory_space<vmem>>
      %dma_wait3A_245 = arith.constant 0 : i32
      %dma_wait3A_246 = arith.constant 0 : i32
      %dma_wait3A_247 = tpu.memref_slice %arg6[%dma_wait3A_245, %dma_wait3A_246] : memref<10240x128xf32, #tpu.memory_space<vmem_shared>> -> memref<10240x128xf32, #tpu.memory_space<vmem_shared>>
      tpu.wait_indirect_dma semaphore(%run_scoped3A_235 : memref<!tpu.dma_semaphore, #tpu.memory_space<semaphore_mem>>) src(%arg10 : memref<128x128xf32, #tpu.memory_space<vmem>>) dst(%dma_wait3A_247 : memref<10240x128xf32, #tpu.memory_space<vmem_shared>>)
      tpu.yield
    }) : () -> ()
    %barrier3A_230 = arith.constant 0 : index
    tpu.barrier barrier_id(%barrier3A_230)
    %mul3A_231 = arith.constant 640 : i32
    %mul3A_232 = arith.muli %arg1, %mul3A_231 : i32
    %mul3A_233 = arith.constant 640 : i32
    %mul3A_234 = arith.muli %arg1, %mul3A_233 : i32
    "tpu.region"() ({
      %run_scoped3A_235 = tpu.sem_alloc : memref<!tpu.dma_semaphore, #tpu.memory_space<semaphore_mem>>
      %dma_start3A_236 = arith.constant 0 : i32
      %dma_start3A_237 = tpu.memref_slice %arg5[%arg0, %mul3A_234, %dma_start3A_236] : memref<2x10240x128xf32, #tpu.memory_space<hbm>> -> memref<1x640x128xf32, #tpu.memory_space<hbm>>
      %dma_start3A_238 = tpu.memref_squeeze %dma_start3A_237 : memref<1x640x128xf32, #tpu.memory_space<hbm>> -> memref<640x128xf32, #tpu.memory_space<hbm>>
      %dma_start3A_239 = arith.constant 0 : i32
      %dma_start3A_240 = tpu.memref_slice %arg6[%mul3A_232, %dma_start3A_239] : memref<10240x128xf32, #tpu.memory_space<vmem_shared>> -> memref<640x128xf32, #tpu.memory_space<vmem_shared>>
      tpu.enqueue_dma source(%dma_start3A_240 : memref<640x128xf32, #tpu.memory_space<vmem_shared>>) target(%dma_start3A_238 : memref<640x128xf32, #tpu.memory_space<hbm>>) target_semaphore(%run_scoped3A_235 : memref<!tpu.dma_semaphore, #tpu.memory_space<semaphore_mem>>)
      %dma_wait3A_241 = arith.constant 0 : i32
      %dma_wait3A_242 = tpu.memref_slice %arg5[%arg0, %mul3A_234, %dma_wait3A_241] : memref<2x10240x128xf32, #tpu.memory_space<hbm>> -> memref<1x640x128xf32, #tpu.memory_space<hbm>>
      %dma_wait3A_243 = tpu.memref_squeeze %dma_wait3A_242 : memref<1x640x128xf32, #tpu.memory_space<hbm>> -> memref<640x128xf32, #tpu.memory_space<hbm>>
      %dma_wait3A_244 = arith.constant 0 : i32
      %dma_wait3A_245 = tpu.memref_slice %arg6[%mul3A_232, %dma_wait3A_244] : memref<10240x128xf32, #tpu.memory_space<vmem_shared>> -> memref<640x128xf32, #tpu.memory_space<vmem_shared>>
      tpu.wait_dma2 semaphore(%run_scoped3A_235 : memref<!tpu.dma_semaphore, #tpu.memory_space<semaphore_mem>>) src(%dma_wait3A_245 : memref<640x128xf32, #tpu.memory_space<vmem_shared>>) dst(%dma_wait3A_243 : memref<640x128xf32, #tpu.memory_space<hbm>>)
      tpu.yield
    }) : () -> ()
    return
  }
}

module attributes {stable_mosaic.version = 14 : i64} {
  func.func @body(%arg0: memref<10000x128xf32, #tpu.memory_space<vmem>>, %arg1: memref<128x128xf32, #tpu.memory_space<vmem>>, %arg2: memref<10000x128xf32, #tpu.memory_space<vmem>>) attributes {dimension_semantics = [], scalar_prefetch = 0 : i64, scratch_operands = 0 : i64, tpu.core_type = #tpu.core_type<tc>} {
    %get3A = arith.constant 0 : index
    %get3A_0 = arith.constant 0 : index
    %get3A_1 = vector.load %arg0[%get3A, %get3A_0] : memref<10000x128xf32, #tpu.memory_space<vmem>>, vector<10000x128xf32>
    %get3A_2 = arith.constant 0 : index
    %get3A_3 = arith.constant 0 : index
    %get3A_4 = vector.load %arg1[%get3A_2, %get3A_3] : memref<128x128xf32, #tpu.memory_space<vmem>>, vector<128x128xf32>
    %dot_general3A = arith.constant dense<0.000000e+00> : vector<10000x128xf32>
    %dot_general3A_5 = tpu.matmul %get3A_1, %get3A_4, %dot_general3A {dimension_numbers = #tpu.dot_dimension_numbers<[1], [0], [0], [1], [0, 0, 1, 1], [], []>, transpose_lhs_hint = false} : vector<10000x128xf32>, vector<128x128xf32>, vector<10000x128xf32> -> vector<10000x128xf32>
    %swap3A = arith.constant 0 : index
    %swap3A_6 = arith.constant 0 : index
    %swap3A_7 = vector.load %arg2[%swap3A, %swap3A_6] : memref<10000x128xf32, #tpu.memory_space<vmem>>, vector<10000x128xf32>
    tpu.vector_store %arg2[%swap3A, %swap3A_6], %dot_general3A_5 {strides = array<i32>} : memref<10000x128xf32, #tpu.memory_space<vmem>>, vector<10000x128xf32>,
    return
  }
}

module attributes {stable_mosaic.version = 14 : i64} {
  func.func @body(%arg0: memref<2x10240x128xf32, #tpu.memory_space<vmem>>, %arg1: memref<10000x128xf32, #tpu.memory_space<vmem>>, %arg2: memref<128x128xf32, #tpu.memory_space<vmem>>, %arg3: memref<1x128xf32, #tpu.memory_space<vmem>>, %arg4: memref<10000x128xf32, #tpu.memory_space<vmem>>) attributes {dimension_semantics = [], scalar_prefetch = 0 : i64, scratch_operands = 0 : i64, tpu.core_type = #tpu.core_type<tc>} {
    %get3A = arith.constant 0 : index
    %get3A_0 = arith.constant 0 : index
    %get3A_1 = arith.constant 0 : index
    %get3A_2 = vector.load %arg0[%get3A, %get3A_0, %get3A_1] : memref<2x10240x128xf32, #tpu.memory_space<vmem>>, vector<1x10000x128xf32>
    %get3A_3 = vector.shape_cast %get3A_2 : vector<1x10000x128xf32> to vector<10000x128xf32>
    %get3A_4 = arith.constant 1 : index
    %get3A_5 = arith.constant 0 : index
    %get3A_6 = arith.constant 0 : index
    %get3A_7 = vector.load %arg0[%get3A_4, %get3A_5, %get3A_6] : memref<2x10240x128xf32, #tpu.memory_space<vmem>>, vector<1x10000x128xf32>
    %get3A_8 = vector.shape_cast %get3A_7 : vector<1x10000x128xf32> to vector<10000x128xf32>
    %add3A = arith.addf %get3A_3, %get3A_8 : vector<10000x128xf32>
    %get3A_9 = arith.constant 0 : index
    %get3A_10 = arith.constant 0 : index
    %get3A_11 = vector.load %arg2[%get3A_9, %get3A_10] : memref<128x128xf32, #tpu.memory_space<vmem>>, vector<128x128xf32>
    %dot_general3A = arith.constant dense<0.000000e+00> : vector<10000x128xf32>
    %dot_general3A_12 = tpu.matmul %add3A, %get3A_11, %dot_general3A {dimension_numbers = #tpu.dot_dimension_numbers<[1], [0], [0], [1], [0, 0, 1, 1], [], []>, transpose_lhs_hint = false} : vector<10000x128xf32>, vector<128x128xf32>, vector<10000x128xf32> -> vector<10000x128xf32>
    %get3A_13 = arith.constant 0 : index
    %get3A_14 = arith.constant 0 : index
    %get3A_15 = vector.load %arg1[%get3A_13, %get3A_14] : memref<10000x128xf32, #tpu.memory_space<vmem>>, vector<10000x128xf32>
    %add3A_16 = arith.addf %dot_general3A_12, %get3A_15 : vector<10000x128xf32>
    %get3A_17 = arith.constant 0 : index
    %get3A_18 = arith.constant 0 : index
    %get3A_19 = vector.load %arg3[%get3A_17, %get3A_18] : memref<1x128xf32, #tpu.memory_space<vmem>>, vector<1x128xf32>
    %add3A_20 = vector.broadcast %get3A_19 : vector<1x128xf32> to vector<10000x128xf32>
    %add3A_21 = arith.addf %add3A_16, %add3A_20 : vector<10000x128xf32>
    %max3A = arith.constant 0.000000e+00 : f32
    %max3A_22 = vector.broadcast %max3A : f32 to vector<10000x128xf32>
    %max3A_23 = arith.maximumf %add3A_21, %max3A_22 : vector<10000x128xf32>
    %swap3A = arith.constant 0 : index
    %swap3A_24 = arith.constant 0 : index
    %swap3A_25 = vector.load %arg4[%swap3A, %swap3A_24] : memref<10000x128xf32, #tpu.memory_space<vmem>>, vector<10000x128xf32>
    tpu.vector_store %arg4[%swap3A, %swap3A_24], %max3A_23 {strides = array<i32>} : memref<10000x128xf32, #tpu.memory_space<vmem>>, vector<10000x128xf32>,
    return
  }
}

module attributes {stable_mosaic.version = 14 : i64} {
  func.func @body(%arg0: memref<2x10240x128xf32, #tpu.memory_space<vmem>>, %arg1: memref<10000x128xf32, #tpu.memory_space<vmem>>, %arg2: memref<128x128xf32, #tpu.memory_space<vmem>>, %arg3: memref<1x128xf32, #tpu.memory_space<vmem>>, %arg4: memref<1x10000xi32, #tpu.memory_space<vmem>>, %arg5: memref<128x10xf32, #tpu.memory_space<vmem>>, %arg6: memref<1x10xf32, #tpu.memory_space<vmem>>, %arg7: memref<64x10xf32, #tpu.memory_space<vmem>>) attributes {dimension_semantics = [], scalar_prefetch = 0 : i64, scratch_operands = 0 : i64, tpu.core_type = #tpu.core_type<tc>} {
    %get3A = arith.constant 0 : index
    %get3A_0 = arith.constant 0 : index
    %get3A_1 = arith.constant 0 : index
    %get3A_2 = vector.load %arg0[%get3A, %get3A_0, %get3A_1] : memref<2x10240x128xf32, #tpu.memory_space<vmem>>, vector<1x10000x128xf32>
    %get3A_3 = vector.shape_cast %get3A_2 : vector<1x10000x128xf32> to vector<10000x128xf32>
    %get3A_4 = arith.constant 1 : index
    %get3A_5 = arith.constant 0 : index
    %get3A_6 = arith.constant 0 : index
    %get3A_7 = vector.load %arg0[%get3A_4, %get3A_5, %get3A_6] : memref<2x10240x128xf32, #tpu.memory_space<vmem>>, vector<1x10000x128xf32>
    %get3A_8 = vector.shape_cast %get3A_7 : vector<1x10000x128xf32> to vector<10000x128xf32>
    %add3A = arith.addf %get3A_3, %get3A_8 : vector<10000x128xf32>
    %get3A_9 = arith.constant 0 : index
    %get3A_10 = arith.constant 0 : index
    %get3A_11 = vector.load %arg2[%get3A_9, %get3A_10] : memref<128x128xf32, #tpu.memory_space<vmem>>, vector<128x128xf32>
    %dot_general3A = arith.constant dense<0.000000e+00> : vector<10000x128xf32>
    %dot_general3A_12 = tpu.matmul %add3A, %get3A_11, %dot_general3A {dimension_numbers = #tpu.dot_dimension_numbers<[1], [0], [0], [1], [0, 0, 1, 1], [], []>, transpose_lhs_hint = false} : vector<10000x128xf32>, vector<128x128xf32>, vector<10000x128xf32> -> vector<10000x128xf32>
    %get3A_13 = arith.constant 0 : index
    %get3A_14 = arith.constant 0 : index
    %get3A_15 = vector.load %arg1[%get3A_13, %get3A_14] : memref<10000x128xf32, #tpu.memory_space<vmem>>, vector<10000x128xf32>
    %add3A_16 = arith.addf %dot_general3A_12, %get3A_15 : vector<10000x128xf32>
    %get3A_17 = arith.constant 0 : index
    %get3A_18 = arith.constant 0 : index
    %get3A_19 = vector.load %arg3[%get3A_17, %get3A_18] : memref<1x128xf32, #tpu.memory_space<vmem>>, vector<1x128xf32>
    %add3A_20 = vector.broadcast %get3A_19 : vector<1x128xf32> to vector<10000x128xf32>
    %add3A_21 = arith.addf %add3A_16, %add3A_20 : vector<10000x128xf32>
    %max3A = arith.constant 0.000000e+00 : f32
    %max3A_22 = vector.broadcast %max3A : f32 to vector<10000x128xf32>
    %max3A_23 = arith.maximumf %add3A_21, %max3A_22 : vector<10000x128xf32>
    %iota3A = tpu.iota {dimensions = array<i32: 0>} : vector<64x10000xi32>
    %get3A_24 = arith.constant 0 : index
    %get3A_25 = arith.constant 0 : index
    %get3A_26 = vector.load %arg4[%get3A_24, %get3A_25] : memref<1x10000xi32, #tpu.memory_space<vmem>>, vector<1x10000xi32>
    %eq3A = vector.broadcast %get3A_26 : vector<1x10000xi32> to vector<64x10000xi32>
    %eq3A_27 = arith.cmpi eq, %iota3A, %eq3A : vector<64x10000xi32>
    %convert_element_type3A = arith.extui %eq3A_27 : vector<64x10000xi1> to vector<64x10000xi32>
    %convert_element_type3A_28 = arith.sitofp %convert_element_type3A : vector<64x10000xi32> to vector<64x10000xf32>
    %dot_general3A_29 = arith.constant dense<0.000000e+00> : vector<64x128xf32>
    %dot_general3A_30 = tpu.matmul %convert_element_type3A_28, %max3A_23, %dot_general3A_29 {dimension_numbers = #tpu.dot_dimension_numbers<[1], [0], [0], [1], [0, 0, 1, 1], [], []>, transpose_lhs_hint = false} : vector<64x10000xf32>, vector<10000x128xf32>, vector<64x128xf32> -> vector<64x128xf32>
    %reduce_sum3A = arith.constant dense<0.000000e+00> : vector<64xf32>
    %reduce_sum3A_31 = vector.multi_reduction <add>, %convert_element_type3A_28, %reduce_sum3A [1] : vector<64x10000xf32> to vector<64xf32>
    %broadcast_in_dim3A = vector.shape_cast %reduce_sum3A_31 : vector<64xf32> to vector<64x1xf32>
    %max3A_32 = arith.constant 1.000000e+00 : f32
    %max3A_33 = vector.broadcast %max3A_32 : f32 to vector<64x1xf32>
    %max3A_34 = arith.maximumf %broadcast_in_dim3A, %max3A_33 : vector<64x1xf32>
    %div3A = vector.broadcast %max3A_34 : vector<64x1xf32> to vector<64x128xf32>
    %div3A_35 = arith.divf %dot_general3A_30, %div3A : vector<64x128xf32>
    %get3A_36 = arith.constant 0 : index
    %get3A_37 = arith.constant 0 : index
    %get3A_38 = vector.load %arg5[%get3A_36, %get3A_37] : memref<128x10xf32, #tpu.memory_space<vmem>>, vector<128x10xf32>
    %dot_general3A_39 = arith.constant dense<0.000000e+00> : vector<64x10xf32>
    %dot_general3A_40 = tpu.matmul %div3A_35, %get3A_38, %dot_general3A_39 {dimension_numbers = #tpu.dot_dimension_numbers<[1], [0], [0], [1], [0, 0, 1, 1], [], []>, transpose_lhs_hint = false} : vector<64x128xf32>, vector<128x10xf32>, vector<64x10xf32> -> vector<64x10xf32>
    %get3A_41 = arith.constant 0 : index
    %get3A_42 = arith.constant 0 : index
    %get3A_43 = vector.load %arg6[%get3A_41, %get3A_42] : memref<1x10xf32, #tpu.memory_space<vmem>>, vector<1x10xf32>
    %add3A_44 = vector.broadcast %get3A_43 : vector<1x10xf32> to vector<64x10xf32>
    %add3A_45 = arith.addf %dot_general3A_40, %add3A_44 : vector<64x10xf32>
    %swap3A = arith.constant 0 : index
    %swap3A_46 = arith.constant 0 : index
    %swap3A_47 = vector.load %arg7[%swap3A, %swap3A_46] : memref<64x10xf32, #tpu.memory_space<vmem>>, vector<64x10xf32>
    tpu.vector_store %arg7[%swap3A, %swap3A_46], %add3A_45 {strides = array<i32>} : memref<64x10xf32, #tpu.memory_space<vmem>>, vector<64x10xf32>,
    return
  }
}

</mosaic_0001>

<sc_bundles>
// kernel: kernel.11.cloned.1.call-start
scs
__scs_entry_jumppad:
0x0: {  	(pc) =	sbr.rel $0x88, $3  }
0x1: {  	(tag) =	ssettag $0x0;
	lr =	simm.s32 $0x1  }
0x2: {  	[smem:$0x3F96] =	sst lr;
	_ =	strace $0xD0000000  }
0x3: {  	_ = 	snop  }
0x4: {  	_ = 	snop  }
0x5: {  	_ = 	snop  }
0x6: {  	_ = 	snop  }
0x7: {  	_ = 	snop  }
__scs_overlays_trampoline_lowered:
0x8: {  	[smem:$0x3FA5] =	sst s0  }
0x9: {  	[smem:$0x3FA6] =	sst s1  }
0xa: {  	[smem:$0x3FA7] =	sst s2  }
0xb: {  	[smem:$0x3FA8] =	sst s3  }
0xc: {  	[smem:$0x3FA9] =	sst s4  }
0xd: {  	[smem:$0x3FAA] =	sst s5  }
0xe: {  	[smem:$0x3FAB] =	sst s6  }
0xf: {  	[smem:$0x3FAC] =	sst s7  }
0x10: {  	[smem:$0x3FAD] =	sst s8  }
0x11: {  	[smem:$0x3FAE] =	sst s9;
	s0 =	simm.s32 @!p0 $0x0  }
0x12: {  	s1 =	sld [smem:$0x3F94];
	s0 =	simm.s32 @p0 $0x1  }
0x13: {  	[smem:$0x3FAF] =	sst s0;
	s0 =	simm.s32 @!p1 $0x0  }
0x14: {  	s2 =	sld [smem:$0x3F93];
	s0 =	simm.s32 @p1 $0x1  }
0x15: {  	[smem:$0x3FB0] =	sst s0;
	s0 =	simm.s32 @!p2 $0x0  }
0x16: {  	s3 =	sld [smem:$0x3FDB];
	s0 =	simm.s32 @p2 $0x1  }
0x17: {  	s4 =	simm.s32 $0x1BF5;
	[smem:$0x3FB2] =	sst s0  }
0x18: {  	s0 =	sld [smem:$0x3F95];
	_ =	swait.ge [sflag:s4], $0x0  }
0x19: {  	s7 =	sld [smem:$0x3F96]  }
0x1a: {  	s8 =	sadd.s32 $0xFFFFE003, lr  }
0x1b: {  	s9 =	sadd.s32 $0xFFFFFEF7, lr;
	s5 =	simm.s32 $0xFFFFFFFF;
	p2 =	slt.u32 s8, $0xFFFFF086  }
0x1c: {  	p1 =	slt.u32 s9, $0xF7A;
	s5 =	simm.s32 @!p2 $0x0  }
0x1d: {  	s5 =	simm.s32 @p1 $0x1;
	p0 =	seq.s32 s7, s2  }
0x1e: {  	s7 =	smul.u32 @!p0 $0xF7A, s2;
	p2 =	seq.s32 @!p0 s5, $0x0  }
0x1f: {  	s9 =	smul.u32 $0xF7A, s1;
	s8 =	simm.s32 @!p0 $0x1BF5;
	p2 =	por !p2, p0  }
0x20: {  	[sflag:s8] =	ssyncset.s32 @!p0 $0xFFFFF086;
	s6 =	sadd.s32 @!p0 s3, s7;
	s7 =	simm.s32 @!p0 $0x108  }
0x21: {  	s3 =	sadd.s32 s3, s9;
	s6 =	sadd.s32 @!p0 $0x88, s6;
	s7 =	simm.s32 @p2 $0x1082  }
0x22: {  	[simem:s7], [sflag:s8] =	dma.local @!p0 [hbm:s6], $0xF7A  }
0x23: {  	s9 =	sor.u32 $0xD0000000, s2;
	s6 =	simm.s32 $0x108;
	_ =	swait.ge @!p0 [sflag:s8], $0x0  }
0x24: {  	s3 =	sadd.s32 $0x88, s3;
	s6 =	simm.s32 @!p1 $0x1082;
	[sflag:s4] =	ssyncset.s32 $0xFFFFF086  }
0x25: {  	[simem:s6], [sflag:s4] =	dma.local [hbm:s3], $0xF7A  }
0x26: {  	[smem:$0x3F96] =	sst s1;
	(tag) =	ssettag s2;
	_ =	strace s9  }
0x27: {  	s1 =	sld [smem:$0x3FA6]  }
0x28: {  	s2 =	sld [smem:$0x3FA7]  }
0x29: {  	s4 =	sld [smem:$0x3FA9]  }
0x2a: {  	p0 =	seq.s32 s5, $0x0;
	s5 =	sld [smem:$0x3FAA]  }
0x2b: {  	s6 =	sld [smem:$0x3FAB]  }
0x2c: {  	s7 =	sld [smem:$0x3FAC]  }
0x2d: {  	s3 =	simm.s32 $0x108;
	s8 =	sld [smem:$0x3FAD]  }
0x2e: {  	s3 =	simm.s32 @!p0 $0x1082;
	s9 =	sld [smem:$0x3FAE]  }
0x2f: {  	lr =	sadd.s32 s0, s3;
	s0 =	sld [smem:$0x3FA5]  }
0x30: {  	s3 =	sld [smem:$0x3FA8]  }
0x31: {  	[smem:$0x3FB1] =	sst s10  }
0x32: {  	s10 =	sld [smem:$0x3FAF];
	_ =	sdelay $0x3  }
0x33: {  	p0 =	seq.s32 s10, $0x1;
	s10 =	sld [smem:$0x3FB1];
	_ =	sdelay $0x3  }
0x34: {  	[smem:$0x3FB1] =	sst s10  }
0x35: {  	s10 =	sld [smem:$0x3FB0];
	_ =	sdelay $0x3  }
0x36: {  	p1 =	seq.s32 s10, $0x1;
	s10 =	sld [smem:$0x3FB1];
	_ =	sdelay $0x3  }
0x37: {  	[smem:$0x3FB1] =	sst s10  }
0x38: {  	s10 =	sld [smem:$0x3FB2]  }
0x39: {  	_ = 	snop;
	(pc) =	sbr.ind lr, $3  }
0x3a: {  	_ = 	snop  }
0x3b: {  	_ = 	snop  }
0x3c: {  	p2 =	seq.s32 s10, $0x1;
	s10 =	sld [smem:$0x3FB1]  }
0x3d: {  	_ =	shalt  }
0x3e: {  	_ =	shalt  }
0x3f: {  	_ =	shalt  }
0x40: {  	_ =	shalt  }
0x41: {  	_ =	shalt  }
0x42: {  	_ =	shalt  }
0x43: {  	_ =	shalt  }
0x44: {  	_ =	shalt  }
0x45: {  	_ =	shalt  }
0x46: {  	_ =	shalt  }
0x47: {  	_ =	shalt  }
0x48: {  	_ =	shalt  }
0x49: {  	_ =	shalt  }
0x4a: {  	_ =	shalt  }
0x4b: {  	_ =	shalt  }
0x4c: {  	_ =	shalt  }
0x4d: {  	_ =	shalt  }
0x4e: {  	_ =	shalt  }
0x4f: {  	_ =	shalt  }
0x50: {  	_ =	shalt  }
0x51: {  	_ =	shalt  }
0x52: {  	_ =	shalt  }
0x53: {  	_ =	shalt  }
0x54: {  	_ =	shalt  }
0x55: {  	_ =	shalt  }
0x56: {  	_ =	shalt  }
0x57: {  	_ =	shalt  }
0x58: {  	_ =	shalt  }
0x59: {  	_ =	shalt  }
0x5a: {  	_ =	shalt  }
0x5b: {  	_ =	shalt  }
0x5c: {  	_ =	shalt  }
0x5d: {  	_ =	shalt  }
0x5e: {  	_ =	shalt  }
0x5f: {  	_ =	shalt  }
0x60: {  	_ =	shalt  }
0x61: {  	_ =	shalt  }
0x62: {  	_ =	shalt  }
0x63: {  	_ =	shalt  }
0x64: {  	_ =	shalt  }
0x65: {  	_ =	shalt  }
0x66: {  	_ =	shalt  }
0x67: {  	_ =	shalt  }
0x68: {  	_ =	shalt  }
0x69: {  	_ =	shalt  }
0x6a: {  	_ =	shalt  }
0x6b: {  	_ =	shalt  }
0x6c: {  	_ =	shalt  }
0x6d: {  	_ =	shalt  }
0x6e: {  	_ =	shalt  }
0x6f: {  	_ =	shalt  }
0x70: {  	_ =	shalt  }
0x71: {  	_ =	shalt  }
0x72: {  	_ =	shalt  }
0x73: {  	_ =	shalt  }
0x74: {  	_ =	shalt  }
0x75: {  	_ =	shalt  }
0x76: {  	_ =	shalt  }
0x77: {  	_ =	shalt  }
0x78: {  	_ =	shalt  }
0x79: {  	_ =	shalt  }
0x7a: {  	_ =	shalt  }
0x7b: {  	_ =	shalt  }
0x7c: {  	_ =	shalt  }
0x7d: {  	_ =	shalt  }
0x7e: {  	_ =	shalt  }
0x7f: {  	_ =	shalt  }
0x80: {  	_ =	shalt  }
0x81: {  	_ =	shalt  }
0x82: {  	_ =	shalt  }
0x83: {  	_ =	shalt  }
0x84: {  	_ =	shalt  }
0x85: {  	_ =	shalt  }
0x86: {  	_ =	shalt  }
0x87: {  	_ =	shalt  }
.Lfunc_end0:
.L_simem_size_0:
called_computation.1_lowered:
.L_overlay_start_0:
0x88: {  	s2 =	sld [smem:$0x3FD9]  }
0x89: {  	s3 =	sld [smem:$0x3FFE];
	_ =	sdelay $0x1  }
0x8a: {  	s1 =	srdreg.scid  }
0x8b: {  	s0 =	sand.u32 $0x1, s1  }
0x8c: {  	s16 =	sshll.u32 s0, $0xA;
	s2 =	sadd.s32 s3, s2  }
0x8d: {  	s2 =	sadd.s32 s2, s16  }
0x8e: {  	[smem:$0x3FBD] =	sst s2  }
0x8f: {  	_ = 	snop  }
0x90: {  	(tm) =	ssettm $0x1  }
0x91: {  	s17 =	sld [smem:$0x3FFB];
	_ =	sdelay $0x3  }
0x92: {  	_ =	strace s17  }
0x93: {  	s2 =	sld [smem:$0x3FFC];
	_ =	sdelay $0x3  }
0x94: {  	_ =	strace s2  }
0x95: {  	s2 =	sld [smem:$0x3FFD];
	_ =	sdelay $0x3  }
0x96: {  	_ =	strace s2  }
0x97: {  	_ =	strace $0x8FFFFFFF  }
0x98: {  	s18 =	sld [smem:$0x3FDB];
	_ =	sdelay $0x1  }
0x99: {  	s19 =	simm.s32 $_scs_section_size  }
0x9a: {  	s4 =	simm.s32 $_size__tile_overlayer_lowered;
	s5 =	simm.s32 $_tile_overlayer_lowered  }
0x9b: {  	s22 =	simm.s32 $0x1BFF;
	s21 =	sshll.u32 s5, $0x1;
	s2 =	sadd.s32 s19, s18  }
0x9c: {  	s6 =	simm.s32 $0x0;
	s20 =	sshll.u32 s4, $0x1;
	s4 =	sadd.s32 s21, s2  }
0x9d: {  	[timem:s6], [sflag:s22] =	dma.local [hbm:s4], s20  }
0x9e: {  	_ =	swait.ge [sflag:s22], s20  }
0x9f: {  	s3 =	ssub.s32 $0x0, s20;
	[sflag:s22] =	ssyncset.done $0x0  }
0xa0: {  	[sflag:s22] =	ssyncadd.s32 s3;
	_ =	sdelay $0x1  }
0xa1: {  	s23 =	simm.s32 $0x1B8B  }
0xa2: {  	_ =	swait.ge [sflag:s23], $0x1  }
0xa3: {  	[sflag:s23] =	ssyncset.done $0x0  }
0xa4: {  	s25 =	simm.s32 $0x1B8E;
	s24 =	sld [smem:$0x3FFE];
	[sflag:s23] =	ssyncadd.s32 $0xFFFFFFFF  }
0xa5: {  	s26 =	simm.s32 $execute0_lowered;
	[smem:$0x3FD2] =	sst s25  }
0xa6: {  	s4 =	sshll.u32 s26, $0x1;
	_ =	strace $0x80000049;
	[dreg:$0x1] =	wrdreg $0xFFFFFFFF  }
0xa7: {  	s28 =	simm.s32 $_size_execute0_lowered;
	s2 =	sadd.s32 s2, s4;
	[dreg:$0x0] =	wrdreg $0x0  }
0xa8: {  	s4 =	sshll.u32 s28, $0x1;
	[dreg:$0x2] =	wrdreg s2  }
0xa9: {  	[dreg:$0x3] =	wrdreg s4  }
0xaa: {  	[dreg:$0x4] =	wrdreg $0xC0  }
0xab: {  	_ =	task [dreg:s6], $0x5FFFF  }
0xac: {  	[dreg:$0x1] =	wrdreg $0xFFFFFFFF  }
0xad: {  	[dreg:$0x0] =	wrdreg $0x60  }
0xae: {  	[dreg:$0x2] =	wrdreg s24  }
0xaf: {  	[dreg:$0x3] =	wrdreg $0x0  }
0xb0: {  	[dreg:$0x4] =	wrdreg $0x9  }
0xb1: {  	_ =	task.clear_ibuf [dreg:s6], $0x5FFFF;
	_ =	strace $0x90000049  }
0xb2: {  	s29 =	simm.s32 $0x9;
	_ =	strace $0x8000004B  }
0xb3: {  	_ =	swait.ge [sflag:s29], $0x1  }
0xb4: {  	[sflag:s29] =	ssyncadd.s32 $0xFFFFFFFF  }
0xb5: {  	_ =	strace $0x9000004B  }
0xb6: {  	_ =	sfence  }
0xb7: {  	s30 =	sld [smem:$0x0];
	_ =	sdelay $0x2  }
0xb8: {  	s31 =	sshll.u32 s1, $0xD;
	s1 =	sshrl.u32 s1, $0x2  }
0xb9: {  	s3 =	sand.u32 $0x4000, s31;
	s1 =	sadd.s32 s1, s30  }
0xba: {  	s0 =	sor.u32 s3, s0;
	s1 =	sshll.u32 s1, $0x11  }
0xbb: {  	s0 =	sor.u32 s1, s0  }
0xbc: {  	s0 =	sadd.s32 $0x8F2B, s0  }
0xbd: {  	[sflag:s0] =	ssyncadd.remote.s32 $0x1  }
0xbe: {  	_ =	sfence.sel $0xFFFF  }
0xbf: {  	[dreg:$0x0] =	wrdreg $0xFFFFFFFF;
	(pc) =	sbr.abs _section_cstart, $3  }
0xc0: {  	[dreg:$0x1] =	wrdreg $0xFFFFFFFF  }
0xc1: {  	_ =	task.clear_ibuf [dreg:s6], $0x2FFFF;
	_ =	strace $0x9FFFFFFF  }
0xc2: {  	(tm) =	ssettm $0x7FFFFFFF  }
0xc3: {  	_ =	shalt  }
tec
execute0_lowered:
.L_overlay_start_1:
0x0: {  	(tag) =	ssettag $0x1  }
0x1: {  	s0 =	rddreg [dreg:$0x0]  }
0x2: {  	s1 =	rddreg [dreg:$0x1];
	s2 =	simm.s32 $0x0;
	s3 =	srdreg.scid  }
0x3: {  	s10 =	stileid.u32;
	s19 =	simm.s32 $0x14000;
	s20 =	simm.s32 $0x14100  }
0x4: {  	s28 =	simm.s32 $0x5;
	s29 =	simm.s32 $0x4;
	s30 =	simm.s32 $0x1  }
0x5: {  	s31 =	simm.s32 $0x6;
	[smem:$0x7FF] =	sst s2;
	s3 =	sand.u32 $0x1, s3  }
0x6: {  	s4 =	sadd.s32 $0x16400, s0;
	s8 =	smul.u32 $0x14000, s10;
	s5 =	sadd.s32 $0x2400, s0  }
0x7: {  	s6 =	sadd.s32 $0xC400, s0;
	s7 =	smul.u32 $0x140000, s3;
	s9 =	sshll.u32 s3, $0x4  }
0x8: {  	_ =	strace $0x8000004A;
	s3 =	ssub.s32 $0x2, s3;
	s9 =	sor.u32 s10, s9  }
0x9: {  	s21 =	sshrl.u32 s3, $0x1;
	s10 =	smul.u32 $0x50000, s10;
	s8 =	sadd.s32 s8, s7  }
0xa: {  	s7 =	smul.u32 $0x2800, s9;
	s3 =	ssub.s32 s3, s21;
	s21 =	simm.s32 $0x14080  }
0xb: {  	s8 =	sshrl.u32 s8, $0x3;
	s11 =	sshrl.u32 s10, $0x2;
	s18 =	smax.u32 s3, $0x1  }
0xc: {  	s3 =	simm.s32 $0x0;
	s0 =	sadd.s32 s8, s0;
	s22 =	sshrl.u32 s7, $0x3  }
0xd: {  	s11 =	sadd.s32 s11, s1;
	s23 =	sadd.s32 s5, s22;
	s24 =	sor.u32 $0x10, s22  }
0xe: {  	s8 =	sadd.s32 s6, s22;
	s13 =	sadd.s32 $0x4000, s11;
	s14 =	sadd.s32 $0x8000, s11  }
0xf: {  	s15 =	sadd.s32 $0xC000, s11;
	s16 =	sadd.s32 $0x10000, s11;
	s17 =	sadd.s32 $0x3D600, s0  }
0x10: {  	s22 =	simm.s32 $0x14180;
	s0 =	simm.s32 $0x2;
	[dreg:$0x3] =	wrdreg s23  }
0x11: {  	[dreg:$0x4] =	wrdreg s8;
	s25 =	sadd.s32 s5, s24;
	s26 =	sadd.s32 s6, s24  }
0x12: {  	s23 =	simm.s32 $0x18200;
	s24 =	simm.s32 $0x3;
	[dreg:$0x5] =	wrdreg s25  }
0x13: {  	v0 =	vimm.f32 $0.0e+00;
	[dreg:$0x6] =	wrdreg s26;
	s25 =	simm.s32 $0x80;
	s26 =	simm.s32 $0x14200  }
.LBB2_1:
0x14: {  	s8 =	rddreg [dreg:$0x3]  }
0x15: {  	[tilespmem:s19], [sflag:$0x3] =	stream.linear.gather [hbm4b:s8+s2], $0x80, $0x38;
	[tilespmem:$0x1C200] =	vst v63  }
0x16: {  	s9 =	rddreg [dreg:$0x4]  }
0x17: {  	[tilespmem:s20], [sflag:$0x3] =	stream.linear.gather [hbm4b:s9+s2], $0x80, $0x38;
	[tilespmem:$0x1C200] =	vst v63  }
0x18: {  	s10 =	rddreg [dreg:$0x5]  }
0x19: {  	[tilespmem:s21], [sflag:$0x4] =	stream.linear.gather [hbm4b:s10+s2], $0x80, $0x38;
	[tilespmem:$0x1C200] =	vst v63  }
0x1a: {  	s12 =	rddreg [dreg:$0x6];
	s8 =	simm.s32 $0x0;
	s9 =	simm.s32 $0x200  }
0x1b: {  	[tilespmem:s22], [sflag:$0x4] =	stream.linear.gather [hbm4b:s12+s2], $0x80, $0x38;
	[tilespmem:$0x1C200] =	vst v63  }
.LBB2_2:
0x1c: {  	p0 =	sne.s32 s9, $0xFE00;
	[tilespmem:s8+$0x18270] =	vst v0  }
0x1d: {  	[tilespmem:s8+$0x18200] =	vst v0  }
0x1e: {  	[tilespmem:s8+$0x18210] =	vst v0  }
.Ltmp0:
0x1f: {  	[tilespmem:s8+$0x18220] =	vst v0;
	(pc) =	sbr.rel @p0 .LBB2_2-.Ltmp0, $4  }
0x20: {  	[tilespmem:s8+$0x18230] =	vst v0  }
0x21: {  	[tilespmem:s8+$0x18240] =	vst v0  }
0x22: {  	[tilespmem:s8+$0x18250] =	vst v0  }
0x23: {  	[tilespmem:s8+$0x18260] =	vst v0;
	s8 =	sshra.s32 s9, $0x2;
	s9 =	sadd.s32 $0x200, s9  }
0x24: {  	[tilespmem:s8+$0x18270] =	vst v0  }
0x25: {  	[tilespmem:s8+$0x18200] =	vst v0  }
0x26: {  	[tilespmem:s8+$0x18210] =	vst v0  }
0x27: {  	[tilespmem:s8+$0x18220] =	vst v0  }
0x28: {  	[tilespmem:s8+$0x18230] =	vst v0  }
0x29: {  	[tilespmem:s8+$0x18240] =	vst v0  }
0x2a: {  	[tilespmem:s8+$0x18250] =	vst v0  }
0x2b: {  	[tilespmem:s8+$0x18260] =	vst v0  }
0x2c: {  	[spmem:s11] =	stream.linear.scatter [tilespmem:s23], [sflag:$0x5], $0x4000, $0x38;
	[tilespmem:$0x1C200] =	vst v63  }
0x2d: {  	_ = 	snop  }
0x2e: {  	[spmem:s13] =	stream.linear.scatter [tilespmem:s23], [sflag:$0x5], $0x4000, $0x38;
	[tilespmem:$0x1C200] =	vst v63  }
0x2f: {  	_ = 	snop  }
0x30: {  	[spmem:s14] =	stream.linear.scatter [tilespmem:s23], [sflag:$0x5], $0x4000, $0x38;
	[tilespmem:$0x1C200] =	vst v63  }
0x31: {  	_ = 	snop  }
0x32: {  	[spmem:s15] =	stream.linear.scatter [tilespmem:s23], [sflag:$0x5], $0x4000, $0x38;
	[tilespmem:$0x1C200] =	vst v63  }
0x33: {  	_ = 	snop  }
0x34: {  	[spmem:s16] =	stream.linear.scatter [tilespmem:s23], [sflag:$0x5], $0x4000, $0x38;
	[tilespmem:$0x1C200] =	vst v63  }
0x35: {  	_ =	swait.ge [sflag:s24], $0x80  }
0x36: {  	[sflag:s24] =	ssyncset.done $0x0  }
0x37: {  	[sflag:s24] =	ssyncadd.s32 $0xFFFFFF80  }
0x38: {  	_ =	swait.ge [sflag:s24], $0x80  }
0x39: {  	[sflag:s24] =	ssyncset.done $0x0  }
0x3a: {  	[sflag:s24] =	ssyncadd.s32 $0xFFFFFF80  }
0x3b: {  	[tilespmem:s26], [sflag:$0x1] =	stream.indirect.gather [hbm4b:s4+s25], $0x80, s19, s25, $0xb8;
	[tilespmem:$0x1C200] =	vst v63  }
0x3c: {  	_ =	swait.ge [sflag:s28], $0x4000  }
0x3d: {  	[sflag:s28] =	ssyncset.done $0x0  }
0x3e: {  	[sflag:s28] =	ssyncadd.s32 $0xFFFFC000  }
0x3f: {  	_ =	swait.ge [sflag:s28], $0x4000  }
0x40: {  	[sflag:s28] =	ssyncset.done $0x0  }
0x41: {  	[sflag:s28] =	ssyncadd.s32 $0xFFFFC000  }
0x42: {  	_ =	swait.ge [sflag:s28], $0x4000  }
0x43: {  	[sflag:s28] =	ssyncset.done $0x0  }
0x44: {  	[sflag:s28] =	ssyncadd.s32 $0xFFFFC000  }
0x45: {  	_ =	swait.ge [sflag:s28], $0x4000  }
0x46: {  	[sflag:s28] =	ssyncset.done $0x0  }
0x47: {  	[sflag:s28] =	ssyncadd.s32 $0xFFFFC000  }
0x48: {  	_ =	swait.ge [sflag:s28], $0x4000  }
0x49: {  	[sflag:s28] =	ssyncset.done $0x0  }
0x4a: {  	[sflag:s28] =	ssyncadd.s32 $0xFFFFC000  }
0x4b: {  	[bflag:$0x0] =	sbarrier.arrive $0xFFFF  }
0x4c: {  	_ =	swait.ge [sflag:s29], $0x80  }
0x4d: {  	[sflag:s29] =	ssyncset.done $0x0  }
0x4e: {  	[sflag:s29] =	ssyncadd.s32 $0xFFFFFF80  }
0x4f: {  	_ =	swait.ge [sflag:s29], $0x80  }
0x50: {  	[sflag:s29] =	ssyncset.done $0x0  }
0x51: {  	[sflag:s29] =	ssyncadd.s32 $0xFFFFFF80  }
0x52: {  	[tilespmem:s23], [sflag:$0x2] =	stream.indirect.gather [hbm4b:s4+s25], $0x80, s21, s25, $0xb8;
	[tilespmem:$0x1C200] =	vst v63  }
0x53: {  	s12 =	simm.s32 $0x100;
	_ =	swait.ge [sflag:s30], $0x4000  }
0x54: {  	s9 =	sand.u32 $0x7C00, s12;
	[sflag:s30] =	ssyncset.done $0x0  }
0x55: {  	s8 =	sand.u32 $0x300, s12;
	s9 =	sadd.s32 s7, s9;
	[sflag:s30] =	ssyncadd.s32 $0xFFFFC000  }
0x56: {  	[spmem:s1] =	stream.indirect.scatter.add.f32 [tilespmem:s26], [sflag:$0x6], $0x80, s20, s25, $0xb8;
	[tilespmem:$0x1C200] =	vst v63  }
0x57: {  	s8 =	sor.u32 s8, s9;
	_ =	swait.ge [sflag:s31], $0x4000  }
0x58: {  	s8 =	sshrl.u32 s8, $0x3;
	[sflag:s31] =	ssyncset.done $0x0  }
0x59: {  	s10 =	sadd.s32 s5, s8;
	[sflag:s31] =	ssyncadd.s32 $0xFFFFC000  }
0x5a: {  	[tilespmem:s19], [sflag:$0x3] =	stream.linear.gather [hbm4b:s10+s2], $0x80, $0x38;
	[tilespmem:$0x1C200] =	vst v63  }
0x5b: {  	s8 =	sadd.s32 s6, s8  }
0x5c: {  	[tilespmem:s20], [sflag:$0x3] =	stream.linear.gather [hbm4b:s8+s2], $0x80, $0x38;
	[tilespmem:$0x1C200] =	vst v63  }
0x5d: {  	s12 =	simm.s32 $0x180;
	_ =	swait.ge [sflag:s0], $0x4000  }
0x5e: {  	s10 =	sand.u32 $0x7C00, s12;
	[sflag:s0] =	ssyncset.done $0x0  }
0x5f: {  	s9 =	sadd.s32 s7, s10;
	s8 =	sand.u32 $0x380, s12;
	[sflag:s0] =	ssyncadd.s32 $0xFFFFC000  }
0x60: {  	[spmem:s1] =	stream.indirect.scatter.add.f32 [tilespmem:s23], [sflag:$0x6], $0x80, s22, s25, $0xb8;
	[tilespmem:$0x1C200] =	vst v63  }
0x61: {  	s8 =	sor.u32 s8, s9;
	_ =	swait.ge [sflag:s31], $0x4000  }
0x62: {  	s8 =	sshrl.u32 s8, $0x3;
	[sflag:s31] =	ssyncset.done $0x0  }
0x63: {  	s12 =	sadd.s32 s5, s8;
	[sflag:s31] =	ssyncadd.s32 $0xFFFFC000  }
0x64: {  	[tilespmem:s21], [sflag:$0x4] =	stream.linear.gather [hbm4b:s12+s2], $0x80, $0x38;
	[tilespmem:$0x1C200] =	vst v63  }
0x65: {  	s8 =	sadd.s32 s6, s8  }
0x66: {  	[tilespmem:s22], [sflag:$0x4] =	stream.linear.gather [hbm4b:s8+s2], $0x80, $0x38;
	[tilespmem:$0x1C200] =	vst v63  }
0x67: {  	_ =	swait.ge [sflag:s24], $0x80  }
0x68: {  	[sflag:s24] =	ssyncset.done $0x0  }
0x69: {  	[sflag:s24] =	ssyncadd.s32 $0xFFFFFF80  }
0x6a: {  	_ =	swait.ge [sflag:s24], $0x80  }
0x6b: {  	s8 =	simm.s32 $0x280;
	[sflag:s24] =	ssyncset.done $0x0  }
.LBB2_4:
0x6c: {  	p0 =	sne.s32 s8, $0x2780  }
0x6d: {  	[sflag:s24] =	ssyncadd.s32 $0xFFFFFF80;
	s9 =	smov.u32 s8;
	s8 =	sadd.s32 $0x100, s8  }
0x6e: {  	[tilespmem:s26], [sflag:$0x1] =	stream.indirect.gather [hbm4b:s4+s25], $0x80, s19, s25, $0xb8;
	[tilespmem:$0x1C200] =	vst v63  }
0x6f: {  	_ =	swait.ge [sflag:s29], $0x80  }
0x70: {  	[sflag:s29] =	ssyncset.done $0x0  }
0x71: {  	[sflag:s29] =	ssyncadd.s32 $0xFFFFFF80  }
0x72: {  	_ =	swait.ge [sflag:s29], $0x80  }
0x73: {  	[sflag:s29] =	ssyncset.done $0x0  }
0x74: {  	[sflag:s29] =	ssyncadd.s32 $0xFFFFFF80  }
0x75: {  	[tilespmem:s23], [sflag:$0x2] =	stream.indirect.gather [hbm4b:s4+s25], $0x80, s21, s25, $0xb8;
	[tilespmem:$0x1C200] =	vst v63  }
0x76: {  	s10 =	sadd.s32 $0xFFFFFF80, s9;
	_ =	swait.ge [sflag:s30], $0x4000  }
0x77: {  	s12 =	sand.u32 $0x7C00, s10;
	s10 =	sand.u32 $0x300, s10;
	[sflag:s30] =	ssyncset.done $0x0  }
0x78: {  	s12 =	sadd.s32 s7, s12;
	[sflag:s30] =	ssyncadd.s32 $0xFFFFC000  }
0x79: {  	[spmem:s1] =	stream.indirect.scatter.add.f32 [tilespmem:s26], [sflag:$0x6], $0x80, s20, s25, $0xb8;
	[tilespmem:$0x1C200] =	vst v63  }
0x7a: {  	s10 =	sor.u32 s10, s12;
	_ =	swait.ge [sflag:s31], $0x4000  }
0x7b: {  	s10 =	sshrl.u32 s10, $0x3;
	[sflag:s31] =	ssyncset.done $0x0  }
0x7c: {  	s12 =	sadd.s32 s5, s10;
	s10 =	sadd.s32 s6, s10;
	[sflag:s31] =	ssyncadd.s32 $0xFFFFC000  }
0x7d: {  	[tilespmem:s19], [sflag:$0x3] =	stream.linear.gather [hbm4b:s12+s2], $0x80, $0x38;
	[tilespmem:$0x1C200] =	vst v63  }
0x7e: {  	_ = 	snop  }
0x7f: {  	[tilespmem:s20], [sflag:$0x3] =	stream.linear.gather [hbm4b:s10+s2], $0x80, $0x38;
	[tilespmem:$0x1C200] =	vst v63  }
0x80: {  	_ =	swait.ge [sflag:s0], $0x4000  }
0x81: {  	s10 =	sand.u32 $0x7C00, s9;
	[sflag:s0] =	ssyncset.done $0x0  }
0x82: {  	s9 =	sand.u32 $0x380, s9;
	s10 =	sadd.s32 s7, s10;
	[sflag:s0] =	ssyncadd.s32 $0xFFFFC000  }
0x83: {  	[spmem:s1] =	stream.indirect.scatter.add.f32 [tilespmem:s23], [sflag:$0x6], $0x80, s22, s25, $0xb8;
	[tilespmem:$0x1C200] =	vst v63  }
0x84: {  	s9 =	sor.u32 s9, s10;
	_ =	swait.ge [sflag:s31], $0x4000  }
0x85: {  	s9 =	sshrl.u32 s9, $0x3;
	[sflag:s31] =	ssyncset.done $0x0  }
0x86: {  	s10 =	sadd.s32 s5, s9;
	s9 =	sadd.s32 s6, s9;
	[sflag:s31] =	ssyncadd.s32 $0xFFFFC000  }
0x87: {  	[tilespmem:s21], [sflag:$0x4] =	stream.linear.gather [hbm4b:s10+s2], $0x80, $0x38;
	[tilespmem:$0x1C200] =	vst v63  }
0x88: {  	_ = 	snop  }
0x89: {  	[tilespmem:s22], [sflag:$0x4] =	stream.linear.gather [hbm4b:s9+s2], $0x80, $0x38;
	[tilespmem:$0x1C200] =	vst v63  }
.Ltmp1:
0x8a: {  	_ =	swait.ge [sflag:s24], $0x80;
	(pc) =	sbr.rel @p0 .LBB2_4-.Ltmp1, $4  }
0x8b: {  	[sflag:s24] =	ssyncset.done $0x0  }
0x8c: {  	[sflag:s24] =	ssyncadd.s32 $0xFFFFFF80  }
0x8d: {  	_ =	swait.ge [sflag:s24], $0x80  }
0x8e: {  	[sflag:s24] =	ssyncset.done $0x0  }
0x8f: {  	[sflag:s24] =	ssyncadd.s32 $0xFFFFFF80  }
0x90: {  	[tilespmem:s26], [sflag:$0x1] =	stream.indirect.gather [hbm4b:s4+s25], $0x80, s19, s25, $0xb8;
	[tilespmem:$0x1C200] =	vst v63  }
0x91: {  	_ =	swait.ge [sflag:s29], $0x80  }
0x92: {  	[sflag:s29] =	ssyncset.done $0x0  }
0x93: {  	[sflag:s29] =	ssyncadd.s32 $0xFFFFFF80  }
0x94: {  	_ =	swait.ge [sflag:s29], $0x80  }
0x95: {  	[sflag:s29] =	ssyncset.done $0x0  }
0x96: {  	[sflag:s29] =	ssyncadd.s32 $0xFFFFFF80  }
0x97: {  	[tilespmem:s23], [sflag:$0x2] =	stream.indirect.gather [hbm4b:s4+s25], $0x80, s21, s25, $0xb8;
	[tilespmem:$0x1C200] =	vst v63  }
0x98: {  	_ =	swait.ge [sflag:s30], $0x4000  }
0x99: {  	[sflag:s30] =	ssyncset.done $0x0  }
0x9a: {  	[sflag:s30] =	ssyncadd.s32 $0xFFFFC000  }
0x9b: {  	[spmem:s1] =	stream.indirect.scatter.add.f32 [tilespmem:s26], [sflag:$0x6], $0x80, s20, s25, $0xb8;
	[tilespmem:$0x1C200] =	vst v63  }
0x9c: {  	_ =	swait.ge [sflag:s31], $0x4000  }
0x9d: {  	[sflag:s31] =	ssyncset.done $0x0  }
0x9e: {  	[sflag:s31] =	ssyncadd.s32 $0xFFFFC000  }
0x9f: {  	_ =	swait.ge [sflag:s0], $0x4000  }
0xa0: {  	[sflag:s0] =	ssyncset.done $0x0  }
0xa1: {  	[sflag:s0] =	ssyncadd.s32 $0xFFFFC000  }
0xa2: {  	[spmem:s1] =	stream.indirect.scatter.add.f32 [tilespmem:s23], [sflag:$0x6], $0x80, s22, s25, $0xb8;
	[tilespmem:$0x1C200] =	vst v63  }
0xa3: {  	s8 =	stileid.u32;
	_ =	swait.ge [sflag:s31], $0x4000  }
0xa4: {  	s9 =	sshrl.u32 s11, $0x3;
	s3 =	sadd.s32 $0x1, s3;
	[sflag:s31] =	ssyncset.done $0x0  }
0xa5: {  	s8 =	sshll.u32 s8, $0x6;
	p0 =	sne.s32 s3, s18;
	[sflag:s31] =	ssyncadd.s32 $0xFFFFC000  }
.Ltmp2:
0xa6: {  	s8 =	sor.u32 $0x1C06, s8;
	[bflag:$0x0] =	sbarrier.arrive $0xFFFF;
	(pc) =	sbr.rel @p0 .LBB2_1-.Ltmp2, $4  }
0xa7: {  	[hbm:s17], [sflag:s8] =	dma.local [spmem:s9], $0x2800  }
0xa8: {  	_ =	swait.ge [sflag:s31], $0x2800  }
0xa9: {  	[sflag:s31] =	ssyncset.done $0x0  }
0xaa: {  	[sflag:s31] =	ssyncadd.s32 $0xFFFFD800  }
0xab: {  	_ =	sfence.sel $0x180000  }
0xac: {  	[bflag:$0x0] =	sbarrier.arrive $0xFFFF  }
0xad: {  	_ =	strace $0x9000004A  }
0xae: {  	s0 =	stileid.u32;
	[bflag:$0x2] =	sbarrier.arrive $0xFFFF  }
0xaf: {  	p0 =	sne.s32 s0, $0x0;
	s0 =	rddreg [dreg:$0x2]  }
0xb0: {  	s0 =	sadd.s32 @!p0 $0x100000, s0  }
0xb1: {  	[sflag:s0] =	ssyncadd.tile.s32 @!p0 $0x1;
	_ =	shalt  }
.Lfunc_end2:
_tile_overlayer_lowered:
.L_overlay_start_2:
0xb2: {  	(tag) =	ssettag $0x2  }
0xb3: {  	s0 =	rddreg [dreg:$0x0];
	s2 =	stileid.u32  }
0xb4: {  	s1 =	rddreg [dreg:$0x1];
	p0 =	sne.s32 s2, $0x0  }
0xb5: {  	s3 =	rddreg [dreg:$0x2];
	[bflag:$0x3] =	sbarrier.arrive $0xFFFF;
	s2 =	simm.s32 @!p0 $0x1C06  }
0xb6: {  	[timem:s3], [sflag:s2] =	dma.local @!p0 [hbm:s0], s1  }
0xb7: {  	s0 =	simm.s32 @!p0 $0x6  }
0xb8: {  	_ =	swait.ge @!p0 [sflag:s0], s1  }
0xb9: {  	s1 =	ssub.s32 @!p0 $0x0, s1;
	[sflag:s0] =	ssyncset.done @!p0 $0x0  }
0xba: {  	[sflag:s0] =	ssyncadd.s32 @!p0 s1  }
0xbb: {  	[bflag:$0x3] =	sbarrier.arrive $0xFFFF  }
0xbc: {  	_ =	shalt  }

// kernel: kernel.8.cloned.1.call-start
scs
__scs_entry_jumppad:
0x0: {  	(pc) =	sbr.rel $0x88, $3  }
0x1: {  	(tag) =	ssettag $0x0;
	lr =	simm.s32 $0x1  }
0x2: {  	[smem:$0x3F96] =	sst lr;
	_ =	strace $0xD0000000  }
0x3: {  	_ = 	snop  }
0x4: {  	_ = 	snop  }
0x5: {  	_ = 	snop  }
0x6: {  	_ = 	snop  }
0x7: {  	_ = 	snop  }
__scs_overlays_trampoline_lowered:
0x8: {  	[smem:$0x3FA5] =	sst s0  }
0x9: {  	[smem:$0x3FA6] =	sst s1  }
0xa: {  	[smem:$0x3FA7] =	sst s2  }
0xb: {  	[smem:$0x3FA8] =	sst s3  }
0xc: {  	[smem:$0x3FA9] =	sst s4  }
0xd: {  	[smem:$0x3FAA] =	sst s5  }
0xe: {  	[smem:$0x3FAB] =	sst s6  }
0xf: {  	[smem:$0x3FAC] =	sst s7  }
0x10: {  	[smem:$0x3FAD] =	sst s8  }
0x11: {  	[smem:$0x3FAE] =	sst s9;
	s0 =	simm.s32 @!p0 $0x0  }
0x12: {  	s1 =	sld [smem:$0x3F94];
	s0 =	simm.s32 @p0 $0x1  }
0x13: {  	[smem:$0x3FAF] =	sst s0;
	s0 =	simm.s32 @!p1 $0x0  }
0x14: {  	s2 =	sld [smem:$0x3F93];
	s0 =	simm.s32 @p1 $0x1  }
0x15: {  	[smem:$0x3FB0] =	sst s0;
	s0 =	simm.s32 @!p2 $0x0  }
0x16: {  	s3 =	sld [smem:$0x3FDB];
	s0 =	simm.s32 @p2 $0x1  }
0x17: {  	s4 =	simm.s32 $0x1BF5;
	[smem:$0x3FB2] =	sst s0  }
0x18: {  	s0 =	sld [smem:$0x3F95];
	_ =	swait.ge [sflag:s4], $0x0  }
0x19: {  	s7 =	sld [smem:$0x3F96]  }
0x1a: {  	s8 =	sadd.s32 $0xFFFFE003, lr  }
0x1b: {  	s9 =	sadd.s32 $0xFFFFFEF7, lr;
	s5 =	simm.s32 $0xFFFFFFFF;
	p2 =	slt.u32 s8, $0xFFFFF086  }
0x1c: {  	p1 =	slt.u32 s9, $0xF7A;
	s5 =	simm.s32 @!p2 $0x0  }
0x1d: {  	s5 =	simm.s32 @p1 $0x1;
	p0 =	seq.s32 s7, s2  }
0x1e: {  	s7 =	smul.u32 @!p0 $0xF7A, s2;
	p2 =	seq.s32 @!p0 s5, $0x0  }
0x1f: {  	s9 =	smul.u32 $0xF7A, s1;
	s8 =	simm.s32 @!p0 $0x1BF5;
	p2 =	por !p2, p0  }
0x20: {  	[sflag:s8] =	ssyncset.s32 @!p0 $0xFFFFF086;
	s6 =	sadd.s32 @!p0 s3, s7;
	s7 =	simm.s32 @!p0 $0x108  }
0x21: {  	s3 =	sadd.s32 s3, s9;
	s6 =	sadd.s32 @!p0 $0x88, s6;
	s7 =	simm.s32 @p2 $0x1082  }
0x22: {  	[simem:s7], [sflag:s8] =	dma.local @!p0 [hbm:s6], $0xF7A  }
0x23: {  	s9 =	sor.u32 $0xD0000000, s2;
	s6 =	simm.s32 $0x108;
	_ =	swait.ge @!p0 [sflag:s8], $0x0  }
0x24: {  	s3 =	sadd.s32 $0x88, s3;
	s6 =	simm.s32 @!p1 $0x1082;
	[sflag:s4] =	ssyncset.s32 $0xFFFFF086  }
0x25: {  	[simem:s6], [sflag:s4] =	dma.local [hbm:s3], $0xF7A  }
0x26: {  	[smem:$0x3F96] =	sst s1;
	(tag) =	ssettag s2;
	_ =	strace s9  }
0x27: {  	s1 =	sld [smem:$0x3FA6]  }
0x28: {  	s2 =	sld [smem:$0x3FA7]  }
0x29: {  	s4 =	sld [smem:$0x3FA9]  }
0x2a: {  	p0 =	seq.s32 s5, $0x0;
	s5 =	sld [smem:$0x3FAA]  }
0x2b: {  	s6 =	sld [smem:$0x3FAB]  }
0x2c: {  	s7 =	sld [smem:$0x3FAC]  }
0x2d: {  	s3 =	simm.s32 $0x108;
	s8 =	sld [smem:$0x3FAD]  }
0x2e: {  	s3 =	simm.s32 @!p0 $0x1082;
	s9 =	sld [smem:$0x3FAE]  }
0x2f: {  	lr =	sadd.s32 s0, s3;
	s0 =	sld [smem:$0x3FA5]  }
0x30: {  	s3 =	sld [smem:$0x3FA8]  }
0x31: {  	[smem:$0x3FB1] =	sst s10  }
0x32: {  	s10 =	sld [smem:$0x3FAF];
	_ =	sdelay $0x3  }
0x33: {  	p0 =	seq.s32 s10, $0x1;
	s10 =	sld [smem:$0x3FB1];
	_ =	sdelay $0x3  }
0x34: {  	[smem:$0x3FB1] =	sst s10  }
0x35: {  	s10 =	sld [smem:$0x3FB0];
	_ =	sdelay $0x3  }
0x36: {  	p1 =	seq.s32 s10, $0x1;
	s10 =	sld [smem:$0x3FB1];
	_ =	sdelay $0x3  }
0x37: {  	[smem:$0x3FB1] =	sst s10  }
0x38: {  	s10 =	sld [smem:$0x3FB2]  }
0x39: {  	_ = 	snop;
	(pc) =	sbr.ind lr, $3  }
0x3a: {  	_ = 	snop  }
0x3b: {  	_ = 	snop  }
0x3c: {  	p2 =	seq.s32 s10, $0x1;
	s10 =	sld [smem:$0x3FB1]  }
0x3d: {  	_ =	shalt  }
0x3e: {  	_ =	shalt  }
0x3f: {  	_ =	shalt  }
0x40: {  	_ =	shalt  }
0x41: {  	_ =	shalt  }
0x42: {  	_ =	shalt  }
0x43: {  	_ =	shalt  }
0x44: {  	_ =	shalt  }
0x45: {  	_ =	shalt  }
0x46: {  	_ =	shalt  }
0x47: {  	_ =	shalt  }
0x48: {  	_ =	shalt  }
0x49: {  	_ =	shalt  }
0x4a: {  	_ =	shalt  }
0x4b: {  	_ =	shalt  }
0x4c: {  	_ =	shalt  }
0x4d: {  	_ =	shalt  }
0x4e: {  	_ =	shalt  }
0x4f: {  	_ =	shalt  }
0x50: {  	_ =	shalt  }
0x51: {  	_ =	shalt  }
0x52: {  	_ =	shalt  }
0x53: {  	_ =	shalt  }
0x54: {  	_ =	shalt  }
0x55: {  	_ =	shalt  }
0x56: {  	_ =	shalt  }
0x57: {  	_ =	shalt  }
0x58: {  	_ =	shalt  }
0x59: {  	_ =	shalt  }
0x5a: {  	_ =	shalt  }
0x5b: {  	_ =	shalt  }
0x5c: {  	_ =	shalt  }
0x5d: {  	_ =	shalt  }
0x5e: {  	_ =	shalt  }
0x5f: {  	_ =	shalt  }
0x60: {  	_ =	shalt  }
0x61: {  	_ =	shalt  }
0x62: {  	_ =	shalt  }
0x63: {  	_ =	shalt  }
0x64: {  	_ =	shalt  }
0x65: {  	_ =	shalt  }
0x66: {  	_ =	shalt  }
0x67: {  	_ =	shalt  }
0x68: {  	_ =	shalt  }
0x69: {  	_ =	shalt  }
0x6a: {  	_ =	shalt  }
0x6b: {  	_ =	shalt  }
0x6c: {  	_ =	shalt  }
0x6d: {  	_ =	shalt  }
0x6e: {  	_ =	shalt  }
0x6f: {  	_ =	shalt  }
0x70: {  	_ =	shalt  }
0x71: {  	_ =	shalt  }
0x72: {  	_ =	shalt  }
0x73: {  	_ =	shalt  }
0x74: {  	_ =	shalt  }
0x75: {  	_ =	shalt  }
0x76: {  	_ =	shalt  }
0x77: {  	_ =	shalt  }
0x78: {  	_ =	shalt  }
0x79: {  	_ =	shalt  }
0x7a: {  	_ =	shalt  }
0x7b: {  	_ =	shalt  }
0x7c: {  	_ =	shalt  }
0x7d: {  	_ =	shalt  }
0x7e: {  	_ =	shalt  }
0x7f: {  	_ =	shalt  }
0x80: {  	_ =	shalt  }
0x81: {  	_ =	shalt  }
0x82: {  	_ =	shalt  }
0x83: {  	_ =	shalt  }
0x84: {  	_ =	shalt  }
0x85: {  	_ =	shalt  }
0x86: {  	_ =	shalt  }
0x87: {  	_ =	shalt  }
.Lfunc_end0:
.L_simem_size_0:
called_computation_lowered:
.L_overlay_start_0:
0x88: {  	s2 =	sld [smem:$0x3FD9]  }
0x89: {  	s3 =	sld [smem:$0x3FFE];
	_ =	sdelay $0x1  }
0x8a: {  	s1 =	srdreg.scid  }
0x8b: {  	s0 =	sand.u32 $0x1, s1  }
0x8c: {  	s17 =	sshll.u32 s0, $0xA;
	s2 =	sadd.s32 s3, s2  }
0x8d: {  	s2 =	sadd.s32 s2, s17  }
0x8e: {  	[smem:$0x3FBD] =	sst s2  }
0x8f: {  	_ = 	snop  }
0x90: {  	s2 =	sld [smem:$0x3FC9];
	(tm) =	ssettm $0x1  }
0x91: {  	s18 =	sld [smem:$0x3FFB];
	_ =	sdelay $0x3  }
0x92: {  	_ =	strace s18  }
0x93: {  	s3 =	sld [smem:$0x3FFC];
	_ =	sdelay $0x3  }
0x94: {  	_ =	strace s3  }
0x95: {  	s3 =	sld [smem:$0x3FFD];
	_ =	sdelay $0x3  }
0x96: {  	_ =	strace s3  }
0x97: {  	_ =	strace $0x8FFFFFFF  }
0x98: {  	s19 =	sld [smem:$0x3FDB];
	_ =	sdelay $0x1  }
0x99: {  	s4 =	simm.s32 $_scs_section_size  }
0x9a: {  	s5 =	simm.s32 $_size__tile_overlayer_lowered;
	s6 =	simm.s32 $_tile_overlayer_lowered  }
0x9b: {  	s22 =	simm.s32 $0x1BFF;
	s21 =	sshll.u32 s6, $0x1;
	s3 =	sadd.s32 s4, s19  }
0x9c: {  	s7 =	simm.s32 $0x0;
	s20 =	sshll.u32 s5, $0x1;
	s5 =	sadd.s32 s21, s3  }
0x9d: {  	[timem:s7], [sflag:s22] =	dma.local [hbm:s5], s20  }
0x9e: {  	_ =	swait.ge [sflag:s22], s20  }
0x9f: {  	s4 =	ssub.s32 $0x0, s20;
	[sflag:s22] =	ssyncset.done $0x0  }
0xa0: {  	[sflag:s22] =	ssyncadd.s32 s4;
	_ =	sdelay $0x1  }
0xa1: {  	s23 =	simm.s32 $0x1B8B  }
0xa2: {  	_ =	swait.ge [sflag:s23], $0x1  }
0xa3: {  	[sflag:s23] =	ssyncset.done $0x0  }
0xa4: {  	s25 =	simm.s32 $0x1B8E;
	s24 =	sld [smem:$0x3FFE];
	[sflag:s23] =	ssyncadd.s32 $0xFFFFFFFF  }
0xa5: {  	s26 =	simm.s32 $execute0_lowered;
	[smem:$0x3FD2] =	sst s25  }
0xa6: {  	s5 =	sshll.u32 s26, $0x1;
	_ =	strace $0x80000046;
	[dreg:$0x1] =	wrdreg $0xFFFFFFFF  }
0xa7: {  	s28 =	simm.s32 $_size_execute0_lowered;
	s3 =	sadd.s32 s3, s5;
	[dreg:$0x0] =	wrdreg $0x0  }
0xa8: {  	s5 =	sshll.u32 s28, $0x1;
	[dreg:$0x2] =	wrdreg s3  }
0xa9: {  	[dreg:$0x3] =	wrdreg s5  }
0xaa: {  	[dreg:$0x4] =	wrdreg $0xC0  }
0xab: {  	_ =	task [dreg:s7], $0x5FFFF  }
0xac: {  	[dreg:$0x1] =	wrdreg $0xFFFFFFFF  }
0xad: {  	[dreg:$0x0] =	wrdreg $0x60  }
0xae: {  	[dreg:$0x2] =	wrdreg s2  }
0xaf: {  	[dreg:$0x3] =	wrdreg s24  }
0xb0: {  	[dreg:$0x4] =	wrdreg $0x0  }
0xb1: {  	[dreg:$0x5] =	wrdreg $0x9  }
0xb2: {  	_ =	task.clear_ibuf [dreg:s7], $0x6FFFF;
	_ =	strace $0x90000046  }
0xb3: {  	s29 =	simm.s32 $0x9;
	_ =	strace $0x80000048  }
0xb4: {  	_ =	swait.ge [sflag:s29], $0x1  }
0xb5: {  	[sflag:s29] =	ssyncadd.s32 $0xFFFFFFFF  }
0xb6: {  	_ =	strace $0x90000048  }
0xb7: {  	_ =	sfence  }
0xb8: {  	s30 =	sld [smem:$0x0];
	_ =	sdelay $0x2  }
0xb9: {  	s31 =	sshll.u32 s1, $0xD;
	s1 =	sshrl.u32 s1, $0x2  }
0xba: {  	s3 =	sand.u32 $0x4000, s31;
	s1 =	sadd.s32 s1, s30  }
0xbb: {  	s0 =	sor.u32 s3, s0;
	s1 =	sshll.u32 s1, $0x11  }
0xbc: {  	s0 =	sor.u32 s1, s0  }
0xbd: {  	s0 =	sadd.s32 $0x8F2B, s0  }
0xbe: {  	[sflag:s0] =	ssyncadd.remote.s32 $0x1  }
0xbf: {  	_ =	sfence.sel $0xFFFF  }
0xc0: {  	[dreg:$0x0] =	wrdreg $0xFFFFFFFF;
	(pc) =	sbr.abs _section_cstart, $3  }
0xc1: {  	[dreg:$0x1] =	wrdreg $0xFFFFFFFF  }
0xc2: {  	_ =	task.clear_ibuf [dreg:s7], $0x2FFFF;
	_ =	strace $0x9FFFFFFF  }
0xc3: {  	(tm) =	ssettm $0x7FFFFFFF  }
tec
execute0_lowered:
.L_overlay_start_1:
0x0: {  	(tag) =	ssettag $0x1  }
0x1: {  	s1 =	rddreg [dreg:$0x0]  }
0x2: {  	s0 =	rddreg [dreg:$0x1]  }
0x3: {  	s2 =	rddreg [dreg:$0x2];
	s4 =	simm.s32 $0x0  }
0x4: {  	s3 =	srdreg.scid;
	s10 =	stileid.u32;
	s19 =	simm.s32 $0x14000  }
0x5: {  	s20 =	simm.s32 $0x14100;
	s28 =	simm.s32 $0x5;
	s29 =	simm.s32 $0x4  }
0x6: {  	s30 =	simm.s32 $0x1;
	s31 =	simm.s32 $0x6;
	[smem:$0x7FF] =	sst s4  }
0x7: {  	s3 =	sand.u32 $0x1, s3;
	s8 =	smul.u32 $0x14000, s10;
	s5 =	sadd.s32 $0x2400, s0  }
0x8: {  	s6 =	sadd.s32 $0xC400, s0;
	s7 =	smul.u32 $0x140000, s3;
	s9 =	sshll.u32 s3, $0x4  }
0x9: {  	_ =	strace $0x80000047;
	s3 =	ssub.s32 $0x2, s3;
	s9 =	sor.u32 s10, s9  }
0xa: {  	s21 =	sshrl.u32 s3, $0x1;
	s10 =	smul.u32 $0x50000, s10;
	s8 =	sadd.s32 s8, s7  }
0xb: {  	s7 =	smul.u32 $0x2800, s9;
	s3 =	ssub.s32 s3, s21;
	s21 =	simm.s32 $0x14080  }
0xc: {  	s8 =	sshrl.u32 s8, $0x3;
	s11 =	sshrl.u32 s10, $0x2;
	s18 =	smax.u32 s3, $0x1  }
0xd: {  	s3 =	simm.s32 $0x0;
	s0 =	sadd.s32 s8, s0;
	s22 =	sshrl.u32 s7, $0x3  }
0xe: {  	s11 =	sadd.s32 s11, s2;
	s23 =	sadd.s32 s5, s22;
	s24 =	sor.u32 $0x10, s22  }
0xf: {  	s8 =	sadd.s32 s6, s22;
	s13 =	sadd.s32 $0x4000, s11;
	s14 =	sadd.s32 $0x8000, s11  }
0x10: {  	s15 =	sadd.s32 $0xC000, s11;
	s16 =	sadd.s32 $0x10000, s11;
	s17 =	sadd.s32 $0x16400, s0  }
0x11: {  	s22 =	simm.s32 $0x14180;
	s0 =	simm.s32 $0x2;
	[dreg:$0x4] =	wrdreg s23  }
0x12: {  	[dreg:$0x5] =	wrdreg s8;
	s25 =	sadd.s32 s5, s24;
	s26 =	sadd.s32 s6, s24  }
0x13: {  	s23 =	simm.s32 $0x18200;
	s24 =	simm.s32 $0x3;
	[dreg:$0x6] =	wrdreg s25  }
0x14: {  	v0 =	vimm.f32 $0.0e+00;
	[dreg:$0x7] =	wrdreg s26;
	s25 =	simm.s32 $0x80;
	s26 =	simm.s32 $0x14200  }
.LBB2_1:
0x15: {  	s8 =	rddreg [dreg:$0x4]  }
0x16: {  	[tilespmem:s19], [sflag:$0x3] =	stream.linear.gather [hbm4b:s8+s4], $0x80, $0x38;
	[tilespmem:$0x1C200] =	vst v63  }
0x17: {  	s9 =	rddreg [dreg:$0x5]  }
0x18: {  	[tilespmem:s20], [sflag:$0x3] =	stream.linear.gather [hbm4b:s9+s4], $0x80, $0x38;
	[tilespmem:$0x1C200] =	vst v63  }
0x19: {  	s10 =	rddreg [dreg:$0x6]  }
0x1a: {  	[tilespmem:s21], [sflag:$0x4] =	stream.linear.gather [hbm4b:s10+s4], $0x80, $0x38;
	[tilespmem:$0x1C200] =	vst v63  }
0x1b: {  	s12 =	rddreg [dreg:$0x7];
	s8 =	simm.s32 $0x0;
	s9 =	simm.s32 $0x200  }
0x1c: {  	[tilespmem:s22], [sflag:$0x4] =	stream.linear.gather [hbm4b:s12+s4], $0x80, $0x38;
	[tilespmem:$0x1C200] =	vst v63  }
.LBB2_2:
0x1d: {  	p0 =	sne.s32 s9, $0xFE00;
	[tilespmem:s8+$0x18270] =	vst v0  }
0x1e: {  	[tilespmem:s8+$0x18200] =	vst v0  }
0x1f: {  	[tilespmem:s8+$0x18210] =	vst v0  }
.Ltmp0:
0x20: {  	[tilespmem:s8+$0x18220] =	vst v0;
	(pc) =	sbr.rel @p0 .LBB2_2-.Ltmp0, $4  }
0x21: {  	[tilespmem:s8+$0x18230] =	vst v0  }
0x22: {  	[tilespmem:s8+$0x18240] =	vst v0  }
0x23: {  	[tilespmem:s8+$0x18250] =	vst v0  }
0x24: {  	[tilespmem:s8+$0x18260] =	vst v0;
	s8 =	sshra.s32 s9, $0x2;
	s9 =	sadd.s32 $0x200, s9  }
0x25: {  	[tilespmem:s8+$0x18270] =	vst v0  }
0x26: {  	[tilespmem:s8+$0x18200] =	vst v0  }
0x27: {  	[tilespmem:s8+$0x18210] =	vst v0  }
0x28: {  	[tilespmem:s8+$0x18220] =	vst v0  }
0x29: {  	[tilespmem:s8+$0x18230] =	vst v0  }
0x2a: {  	[tilespmem:s8+$0x18240] =	vst v0  }
0x2b: {  	[tilespmem:s8+$0x18250] =	vst v0  }
0x2c: {  	[tilespmem:s8+$0x18260] =	vst v0  }
0x2d: {  	[spmem:s11] =	stream.linear.scatter [tilespmem:s23], [sflag:$0x5], $0x4000, $0x38;
	[tilespmem:$0x1C200] =	vst v63  }
0x2e: {  	_ = 	snop  }
0x2f: {  	[spmem:s13] =	stream.linear.scatter [tilespmem:s23], [sflag:$0x5], $0x4000, $0x38;
	[tilespmem:$0x1C200] =	vst v63  }
0x30: {  	_ = 	snop  }
0x31: {  	[spmem:s14] =	stream.linear.scatter [tilespmem:s23], [sflag:$0x5], $0x4000, $0x38;
	[tilespmem:$0x1C200] =	vst v63  }
0x32: {  	_ = 	snop  }
0x33: {  	[spmem:s15] =	stream.linear.scatter [tilespmem:s23], [sflag:$0x5], $0x4000, $0x38;
	[tilespmem:$0x1C200] =	vst v63  }
0x34: {  	_ = 	snop  }
0x35: {  	[spmem:s16] =	stream.linear.scatter [tilespmem:s23], [sflag:$0x5], $0x4000, $0x38;
	[tilespmem:$0x1C200] =	vst v63  }
0x36: {  	_ =	swait.ge [sflag:s24], $0x80  }
0x37: {  	[sflag:s24] =	ssyncset.done $0x0  }
0x38: {  	[sflag:s24] =	ssyncadd.s32 $0xFFFFFF80  }
0x39: {  	_ =	swait.ge [sflag:s24], $0x80  }
0x3a: {  	[sflag:s24] =	ssyncset.done $0x0  }
0x3b: {  	[sflag:s24] =	ssyncadd.s32 $0xFFFFFF80  }
0x3c: {  	[tilespmem:s26], [sflag:$0x1] =	stream.indirect.gather [hbm4b:s1+s25], $0x80, s19, s25, $0xb8;
	[tilespmem:$0x1C200] =	vst v63  }
0x3d: {  	_ =	swait.ge [sflag:s28], $0x4000  }
0x3e: {  	[sflag:s28] =	ssyncset.done $0x0  }
0x3f: {  	[sflag:s28] =	ssyncadd.s32 $0xFFFFC000  }
0x40: {  	_ =	swait.ge [sflag:s28], $0x4000  }
0x41: {  	[sflag:s28] =	ssyncset.done $0x0  }
0x42: {  	[sflag:s28] =	ssyncadd.s32 $0xFFFFC000  }
0x43: {  	_ =	swait.ge [sflag:s28], $0x4000  }
0x44: {  	[sflag:s28] =	ssyncset.done $0x0  }
0x45: {  	[sflag:s28] =	ssyncadd.s32 $0xFFFFC000  }
0x46: {  	_ =	swait.ge [sflag:s28], $0x4000  }
0x47: {  	[sflag:s28] =	ssyncset.done $0x0  }
0x48: {  	[sflag:s28] =	ssyncadd.s32 $0xFFFFC000  }
0x49: {  	_ =	swait.ge [sflag:s28], $0x4000  }
0x4a: {  	[sflag:s28] =	ssyncset.done $0x0  }
0x4b: {  	[sflag:s28] =	ssyncadd.s32 $0xFFFFC000  }
0x4c: {  	[bflag:$0x0] =	sbarrier.arrive $0xFFFF  }
0x4d: {  	_ =	swait.ge [sflag:s29], $0x80  }
0x4e: {  	[sflag:s29] =	ssyncset.done $0x0  }
0x4f: {  	[sflag:s29] =	ssyncadd.s32 $0xFFFFFF80  }
0x50: {  	_ =	swait.ge [sflag:s29], $0x80  }
0x51: {  	[sflag:s29] =	ssyncset.done $0x0  }
0x52: {  	[sflag:s29] =	ssyncadd.s32 $0xFFFFFF80  }
0x53: {  	[tilespmem:s23], [sflag:$0x2] =	stream.indirect.gather [hbm4b:s1+s25], $0x80, s21, s25, $0xb8;
	[tilespmem:$0x1C200] =	vst v63  }
0x54: {  	s12 =	simm.s32 $0x100;
	_ =	swait.ge [sflag:s30], $0x4000  }
0x55: {  	s9 =	sand.u32 $0x7C00, s12;
	[sflag:s30] =	ssyncset.done $0x0  }
0x56: {  	s8 =	sand.u32 $0x300, s12;
	s9 =	sadd.s32 s7, s9;
	[sflag:s30] =	ssyncadd.s32 $0xFFFFC000  }
0x57: {  	[spmem:s2] =	stream.indirect.scatter.add.f32 [tilespmem:s26], [sflag:$0x6], $0x80, s20, s25, $0xb8;
	[tilespmem:$0x1C200] =	vst v63  }
0x58: {  	s8 =	sor.u32 s8, s9;
	_ =	swait.ge [sflag:s31], $0x4000  }
0x59: {  	s8 =	sshrl.u32 s8, $0x3;
	[sflag:s31] =	ssyncset.done $0x0  }
0x5a: {  	s10 =	sadd.s32 s5, s8;
	[sflag:s31] =	ssyncadd.s32 $0xFFFFC000  }
0x5b: {  	[tilespmem:s19], [sflag:$0x3] =	stream.linear.gather [hbm4b:s10+s4], $0x80, $0x38;
	[tilespmem:$0x1C200] =	vst v63  }
0x5c: {  	s8 =	sadd.s32 s6, s8  }
0x5d: {  	[tilespmem:s20], [sflag:$0x3] =	stream.linear.gather [hbm4b:s8+s4], $0x80, $0x38;
	[tilespmem:$0x1C200] =	vst v63  }
0x5e: {  	s12 =	simm.s32 $0x180;
	_ =	swait.ge [sflag:s0], $0x4000  }
0x5f: {  	s10 =	sand.u32 $0x7C00, s12;
	[sflag:s0] =	ssyncset.done $0x0  }
0x60: {  	s9 =	sadd.s32 s7, s10;
	s8 =	sand.u32 $0x380, s12;
	[sflag:s0] =	ssyncadd.s32 $0xFFFFC000  }
0x61: {  	[spmem:s2] =	stream.indirect.scatter.add.f32 [tilespmem:s23], [sflag:$0x6], $0x80, s22, s25, $0xb8;
	[tilespmem:$0x1C200] =	vst v63  }
0x62: {  	s8 =	sor.u32 s8, s9;
	_ =	swait.ge [sflag:s31], $0x4000  }
0x63: {  	s8 =	sshrl.u32 s8, $0x3;
	[sflag:s31] =	ssyncset.done $0x0  }
0x64: {  	s12 =	sadd.s32 s5, s8;
	[sflag:s31] =	ssyncadd.s32 $0xFFFFC000  }
0x65: {  	[tilespmem:s21], [sflag:$0x4] =	stream.linear.gather [hbm4b:s12+s4], $0x80, $0x38;
	[tilespmem:$0x1C200] =	vst v63  }
0x66: {  	s8 =	sadd.s32 s6, s8  }
0x67: {  	[tilespmem:s22], [sflag:$0x4] =	stream.linear.gather [hbm4b:s8+s4], $0x80, $0x38;
	[tilespmem:$0x1C200] =	vst v63  }
0x68: {  	_ =	swait.ge [sflag:s24], $0x80  }
0x69: {  	[sflag:s24] =	ssyncset.done $0x0  }
0x6a: {  	[sflag:s24] =	ssyncadd.s32 $0xFFFFFF80  }
0x6b: {  	_ =	swait.ge [sflag:s24], $0x80  }
0x6c: {  	s8 =	simm.s32 $0x280;
	[sflag:s24] =	ssyncset.done $0x0  }
.LBB2_4:
0x6d: {  	p0 =	sne.s32 s8, $0x2780  }
0x6e: {  	[sflag:s24] =	ssyncadd.s32 $0xFFFFFF80;
	s9 =	smov.u32 s8;
	s8 =	sadd.s32 $0x100, s8  }
0x6f: {  	[tilespmem:s26], [sflag:$0x1] =	stream.indirect.gather [hbm4b:s1+s25], $0x80, s19, s25, $0xb8;
	[tilespmem:$0x1C200] =	vst v63  }
0x70: {  	_ =	swait.ge [sflag:s29], $0x80  }
0x71: {  	[sflag:s29] =	ssyncset.done $0x0  }
0x72: {  	[sflag:s29] =	ssyncadd.s32 $0xFFFFFF80  }
0x73: {  	_ =	swait.ge [sflag:s29], $0x80  }
0x74: {  	[sflag:s29] =	ssyncset.done $0x0  }
0x75: {  	[sflag:s29] =	ssyncadd.s32 $0xFFFFFF80  }
0x76: {  	[tilespmem:s23], [sflag:$0x2] =	stream.indirect.gather [hbm4b:s1+s25], $0x80, s21, s25, $0xb8;
	[tilespmem:$0x1C200] =	vst v63  }
0x77: {  	s10 =	sadd.s32 $0xFFFFFF80, s9;
	_ =	swait.ge [sflag:s30], $0x4000  }
0x78: {  	s12 =	sand.u32 $0x7C00, s10;
	s10 =	sand.u32 $0x300, s10;
	[sflag:s30] =	ssyncset.done $0x0  }
0x79: {  	s12 =	sadd.s32 s7, s12;
	[sflag:s30] =	ssyncadd.s32 $0xFFFFC000  }
0x7a: {  	[spmem:s2] =	stream.indirect.scatter.add.f32 [tilespmem:s26], [sflag:$0x6], $0x80, s20, s25, $0xb8;
	[tilespmem:$0x1C200] =	vst v63  }
0x7b: {  	s10 =	sor.u32 s10, s12;
	_ =	swait.ge [sflag:s31], $0x4000  }
0x7c: {  	s10 =	sshrl.u32 s10, $0x3;
	[sflag:s31] =	ssyncset.done $0x0  }
0x7d: {  	s12 =	sadd.s32 s5, s10;
	s10 =	sadd.s32 s6, s10;
	[sflag:s31] =	ssyncadd.s32 $0xFFFFC000  }
0x7e: {  	[tilespmem:s19], [sflag:$0x3] =	stream.linear.gather [hbm4b:s12+s4], $0x80, $0x38;
	[tilespmem:$0x1C200] =	vst v63  }
0x7f: {  	_ = 	snop  }
0x80: {  	[tilespmem:s20], [sflag:$0x3] =	stream.linear.gather [hbm4b:s10+s4], $0x80, $0x38;
	[tilespmem:$0x1C200] =	vst v63  }
0x81: {  	_ =	swait.ge [sflag:s0], $0x4000  }
0x82: {  	s10 =	sand.u32 $0x7C00, s9;
	[sflag:s0] =	ssyncset.done $0x0  }
0x83: {  	s9 =	sand.u32 $0x380, s9;
	s10 =	sadd.s32 s7, s10;
	[sflag:s0] =	ssyncadd.s32 $0xFFFFC000  }
0x84: {  	[spmem:s2] =	stream.indirect.scatter.add.f32 [tilespmem:s23], [sflag:$0x6], $0x80, s22, s25, $0xb8;
	[tilespmem:$0x1C200] =	vst v63  }
0x85: {  	s9 =	sor.u32 s9, s10;
	_ =	swait.ge [sflag:s31], $0x4000  }
0x86: {  	s9 =	sshrl.u32 s9, $0x3;
	[sflag:s31] =	ssyncset.done $0x0  }
0x87: {  	s10 =	sadd.s32 s5, s9;
	s9 =	sadd.s32 s6, s9;
	[sflag:s31] =	ssyncadd.s32 $0xFFFFC000  }
0x88: {  	[tilespmem:s21], [sflag:$0x4] =	stream.linear.gather [hbm4b:s10+s4], $0x80, $0x38;
	[tilespmem:$0x1C200] =	vst v63  }
0x89: {  	_ = 	snop  }
0x8a: {  	[tilespmem:s22], [sflag:$0x4] =	stream.linear.gather [hbm4b:s9+s4], $0x80, $0x38;
	[tilespmem:$0x1C200] =	vst v63  }
.Ltmp1:
0x8b: {  	_ =	swait.ge [sflag:s24], $0x80;
	(pc) =	sbr.rel @p0 .LBB2_4-.Ltmp1, $4  }
0x8c: {  	[sflag:s24] =	ssyncset.done $0x0  }
0x8d: {  	[sflag:s24] =	ssyncadd.s32 $0xFFFFFF80  }
0x8e: {  	_ =	swait.ge [sflag:s24], $0x80  }
0x8f: {  	[sflag:s24] =	ssyncset.done $0x0  }
0x90: {  	[sflag:s24] =	ssyncadd.s32 $0xFFFFFF80  }
0x91: {  	[tilespmem:s26], [sflag:$0x1] =	stream.indirect.gather [hbm4b:s1+s25], $0x80, s19, s25, $0xb8;
	[tilespmem:$0x1C200] =	vst v63  }
0x92: {  	_ =	swait.ge [sflag:s29], $0x80  }
0x93: {  	[sflag:s29] =	ssyncset.done $0x0  }
0x94: {  	[sflag:s29] =	ssyncadd.s32 $0xFFFFFF80  }
0x95: {  	_ =	swait.ge [sflag:s29], $0x80  }
0x96: {  	[sflag:s29] =	ssyncset.done $0x0  }
0x97: {  	[sflag:s29] =	ssyncadd.s32 $0xFFFFFF80  }
0x98: {  	[tilespmem:s23], [sflag:$0x2] =	stream.indirect.gather [hbm4b:s1+s25], $0x80, s21, s25, $0xb8;
	[tilespmem:$0x1C200] =	vst v63  }
0x99: {  	_ =	swait.ge [sflag:s30], $0x4000  }
0x9a: {  	[sflag:s30] =	ssyncset.done $0x0  }
0x9b: {  	[sflag:s30] =	ssyncadd.s32 $0xFFFFC000  }
0x9c: {  	[spmem:s2] =	stream.indirect.scatter.add.f32 [tilespmem:s26], [sflag:$0x6], $0x80, s20, s25, $0xb8;
	[tilespmem:$0x1C200] =	vst v63  }
0x9d: {  	_ =	swait.ge [sflag:s31], $0x4000  }
0x9e: {  	[sflag:s31] =	ssyncset.done $0x0  }
0x9f: {  	[sflag:s31] =	ssyncadd.s32 $0xFFFFC000  }
0xa0: {  	_ =	swait.ge [sflag:s0], $0x4000  }
0xa1: {  	[sflag:s0] =	ssyncset.done $0x0  }
0xa2: {  	[sflag:s0] =	ssyncadd.s32 $0xFFFFC000  }
0xa3: {  	[spmem:s2] =	stream.indirect.scatter.add.f32 [tilespmem:s23], [sflag:$0x6], $0x80, s22, s25, $0xb8;
	[tilespmem:$0x1C200] =	vst v63  }
0xa4: {  	s8 =	stileid.u32;
	_ =	swait.ge [sflag:s31], $0x4000  }
0xa5: {  	s9 =	sshrl.u32 s11, $0x3;
	s3 =	sadd.s32 $0x1, s3;
	[sflag:s31] =	ssyncset.done $0x0  }
0xa6: {  	s8 =	sshll.u32 s8, $0x6;
	p0 =	sne.s32 s3, s18;
	[sflag:s31] =	ssyncadd.s32 $0xFFFFC000  }
.Ltmp2:
0xa7: {  	s8 =	sor.u32 $0x1C06, s8;
	[bflag:$0x0] =	sbarrier.arrive $0xFFFF;
	(pc) =	sbr.rel @p0 .LBB2_1-.Ltmp2, $4  }
0xa8: {  	[hbm:s17], [sflag:s8] =	dma.local [spmem:s9], $0x2800  }
0xa9: {  	_ =	swait.ge [sflag:s31], $0x2800  }
0xaa: {  	[sflag:s31] =	ssyncset.done $0x0  }
0xab: {  	[sflag:s31] =	ssyncadd.s32 $0xFFFFD800  }
0xac: {  	_ =	sfence.sel $0x180000  }
0xad: {  	[bflag:$0x0] =	sbarrier.arrive $0xFFFF  }
0xae: {  	_ =	strace $0x90000047  }
0xaf: {  	s0 =	stileid.u32;
	[bflag:$0x2] =	sbarrier.arrive $0xFFFF  }
0xb0: {  	p0 =	sne.s32 s0, $0x0;
	s0 =	rddreg [dreg:$0x3]  }
0xb1: {  	s0 =	sadd.s32 @!p0 $0x100000, s0  }
0xb2: {  	[sflag:s0] =	ssyncadd.tile.s32 @!p0 $0x1;
	_ =	shalt  }
.Lfunc_end2:
_tile_overlayer_lowered:
.L_overlay_start_2:
0xb3: {  	(tag) =	ssettag $0x2  }
0xb4: {  	s0 =	rddreg [dreg:$0x0];
	s2 =	stileid.u32  }
0xb5: {  	s1 =	rddreg [dreg:$0x1];
	p0 =	sne.s32 s2, $0x0  }
0xb6: {  	s3 =	rddreg [dreg:$0x2];
	[bflag:$0x3] =	sbarrier.arrive $0xFFFF;
	s2 =	simm.s32 @!p0 $0x1C06  }
0xb7: {  	[timem:s3], [sflag:s2] =	dma.local @!p0 [hbm:s0], s1  }
0xb8: {  	s0 =	simm.s32 @!p0 $0x6  }
0xb9: {  	_ =	swait.ge @!p0 [sflag:s0], s1  }
0xba: {  	s1 =	ssub.s32 @!p0 $0x0, s1;
	[sflag:s0] =	ssyncset.done @!p0 $0x0  }
0xbb: {  	[sflag:s0] =	ssyncadd.s32 @!p0 s1  }
0xbc: {  	[bflag:$0x3] =	sbarrier.arrive $0xFFFF  }
0xbd: {  	_ =	shalt  }

</sc_bundles>
